<compile_context>
chip_gen: v7x
topology: tpu7x:2x2x1
jax: 0.10.2.dev20260603
libtpu: 0.0.44.dev20260713+nightly
codegen_flags: <defaults>
</compile_context>

<pallas_src>
import functools

import jax
import jax.numpy as jnp
from jax import lax
from jax.experimental import pallas as pl
from jax.experimental.pallas import tpu as pltpu
from jax.experimental.pallas import tpu_sc as plsc

B, S = 4096, 200
TABLE_SIZE = 1000000
MULT = 2654435761
M1 = MULT & 0xFFFFFFFF
M2 = (MULT * MULT) & 0xFFFFFFFF
M3 = (MULT * MULT * MULT) & 0xFFFFFFFF

NTOT = B * S
NW = 32
CHUNK = NTOT // NW
ROWS = NTOT // 128
HASH_BLK = 800


def _hash_body(x_ref, out):
    xb = x_ref[...].astype(jnp.uint32)
    zrow = jnp.zeros((1, 128), jnp.uint32)
    xprev = jnp.concatenate([zrow, xb[:-1, :]], axis=0)

    def shift(k):
        return jnp.concatenate([xprev[:, 128 - k:], xb[:, :128 - k]], axis=1)

    r = jax.lax.broadcasted_iota(jnp.uint32, (ROWS, 128), 0)
    l = jax.lax.broadcasted_iota(jnp.uint32, (ROWS, 128), 1)
    pm = (r * jnp.uint32(128) + l) % jnp.uint32(S)
    zero = jnp.uint32(0)
    a0 = xb
    a1 = jnp.where(pm >= jnp.uint32(1), shift(1), zero)
    a2 = jnp.where(pm >= jnp.uint32(2), shift(2), zero)
    a3 = jnp.where(pm >= jnp.uint32(3), shift(3), zero)
    ts = jnp.uint32(TABLE_SIZE)
    h2 = a1 * jnp.uint32(M1) + a0
    h3 = a2 * jnp.uint32(M2) + h2
    h4 = a3 * jnp.uint32(M3) + h3
    out[0] = (h2 % ts).astype(jnp.int32)
    out[1] = (h3 % ts).astype(jnp.int32)
    out[2] = (h4 % ts).astype(jnp.int32)


def _compute_indices(xf):
    return pl.pallas_call(
        _hash_body,
        out_shape=jax.ShapeDtypeStruct((3, ROWS, 128), jnp.int32),
        compiler_params=pltpu.CompilerParams(allow_input_fusion=[True]),
    )(xf)


SEG = 62496
TAIL = TABLE_SIZE - 15 * SEG
NSTG = 4
STG = TAIL // NSTG
NB = 4
GB = CHUNK // NB


def _gather_body(idx_h, tb2_h, tb3_h, tb4_h, out_h,
                 idx_v0, idx_v1, out_v0, out_v1, bnc_v0, bnc_v1, tb_s,
                 sem_h, sem_s, sem_i, sem_g, sem_o):
    c = lax.axis_index("c")
    s = lax.axis_index("s")
    wid = s * 2 + c
    base = wid * CHUNK
    idx_bufs = (idx_v0, idx_v1)
    out_bufs = (out_v0, out_v1)
    bncs = (bnc_v0, bnc_v1)
    off = jnp.minimum(s * SEG, TABLE_SIZE - TAIL)
    tabs = (tb2_h, tb3_h, tb4_h)
    idx_descs = {}
    last_out = {0: None, 1: None}

    def idx_start(t, b):
        o = t * NTOT + base + b * GB
        idx_descs[(t, b)] = pltpu.async_copy(
            idx_h.at[pl.ds(o, GB)], idx_bufs[b % 2], sem_i
        )

    idx_start(0, 0)
    for t in range(3):
        tb_h = tabs[t]
        if t > 0:
            plsc.subcore_barrier()

        def stg_h(r):
            return pltpu.async_copy(
                tb_h.at[pl.ds(off + r * STG, STG)], bncs[r % 2], sem_h
            )

        hd = [None] * NSTG
        sd = [None] * NSTG
        hd[0] = stg_h(0)
        hd[1] = stg_h(1)
        for r in range(NSTG):
            hd[r].wait()
            sd[r] = pltpu.async_copy(
                bncs[r % 2], tb_s.at[pl.ds(off + r * STG, STG)], sem_s
            )
            if r + 2 < NSTG:
                sd[r].wait()
                hd[r + 2] = stg_h(r + 2)
        sd[NSTG - 2].wait()
        sd[NSTG - 1].wait()
        plsc.subcore_barrier()

        def out_start(b):
            o = t * NTOT + base + b * GB
            last_out[b % 2] = pltpu.async_copy(
                out_bufs[b % 2], out_h.at[pl.ds(o, GB)], sem_o
            )

        gd = {}
        for b in range(NB):
            idx_descs[(t, b)].wait()
            p = b % 2
            if last_out[p] is not None:
                last_out[p].wait()
            gd[b] = pltpu.async_copy(tb_s.at[idx_bufs[p]], out_bufs[p], sem_g)
            if b > 0:
                gd[b - 1].wait()
                out_start(b - 1)
            if b + 1 < NB:
                idx_start(t, b + 1)
            elif t < 2:
                idx_start(t + 1, 0)
        gd[NB - 1].wait()
        out_start(NB - 1)
    last_out[0].wait()
    last_out[1].wait()


@functools.cache
def _gather():
    return functools.partial(
        pl.kernel,
        out_type=jax.ShapeDtypeStruct((3 * NTOT,), jnp.float32),
        mesh=plsc.VectorSubcoreMesh(core_axis_name="c", subcore_axis_name="s"),
        scratch_types=[
            pltpu.VMEM((GB,), jnp.int32),
            pltpu.VMEM((GB,), jnp.int32),
            pltpu.VMEM((GB,), jnp.float32),
            pltpu.VMEM((GB,), jnp.float32),
            pltpu.VMEM((STG,), jnp.float32),
            pltpu.VMEM((STG,), jnp.float32),
            pltpu.VMEM_SHARED((TABLE_SIZE,), jnp.float32),
            pltpu.SemaphoreType.DMA,
            pltpu.SemaphoreType.DMA,
            pltpu.SemaphoreType.DMA,
            pltpu.SemaphoreType.DMA,
            pltpu.SemaphoreType.DMA,
        ],
    )(_gather_body)


def kernel(x, table_2, table_3, table_4):
    xf = x.reshape(ROWS, 128)
    idx = _compute_indices(xf).reshape(3 * NTOT)
    out = _gather()(idx, table_2, table_3, table_4)
    return out.reshape(3, B, S)

# --- scband reference (transcript-rebuilt; emitter-appended) ---
"""Pipeline reference for scband-realtime-ngram-processor-17703855194503 (READ-ONLY COPY).

The authoritative reference and input builder live on the scoring server;
editing this copy changes nothing except your own understanding.
"""

import jax, jax.numpy as jnp
import numpy as np

B, S = 4096, 200
TOKEN_VOCAB = 100000
NGRAM_SIZES = (2, 3, 4)
TABLE_SIZE = 1000000  # ngram_to_size[n] for each n


def setup_inputs(seed: int = 0) -> dict:
    key = jax.random.key(seed)
    kx, k2, k3, k4 = jax.random.split(key, 4)
    x = jax.random.randint(kx, (B, S), 0, TOKEN_VOCAB, dtype=jnp.int32)
    # Learned/derived ngram-id lookup tables (dict lookup_table in _compute_ngram_ids,
    # materialized as dense hash tables; values are ngram ids in [0, TABLE_SIZE+4)).
    table_2 = jax.random.randint(k2, (TABLE_SIZE,), 0, TABLE_SIZE + 4).astype(jnp.float32)
    table_3 = jax.random.randint(k3, (TABLE_SIZE,), 0, TABLE_SIZE + 4).astype(jnp.float32)
    table_4 = jax.random.randint(k4, (TABLE_SIZE,), 0, TABLE_SIZE + 4).astype(jnp.float32)
    return {"x": x, "table_2": table_2, "table_3": table_3, "table_4": table_4}


def _ngram_indices(x, n, table_size):
    # left-pad with zeros (constant_values=0), sliding windows of length n,
    # hash each window tuple into the lookup table (dict.get -> hashed gather)
    padded = jnp.pad(x, ((0, 0), (n - 1, 0)), mode="constant", constant_values=0)
    Bv, Sv = x.shape
    h = jnp.zeros((Bv, Sv), dtype=jnp.uint32)
    mult = jnp.uint32(2654435761)
    for j in range(n):
        tok = jax.lax.dynamic_slice_in_dim(padded, j, Sv, axis=1).astype(jnp.uint32)
        h = h * mult + tok
    return (h % jnp.uint32(table_size)).astype(jnp.int32)


def reference(x, table_2, table_3, table_4):
    tables = {2: table_2, 3: table_3, 4: table_4}
    ngram_tensors = []
    for n in NGRAM_SIZES:  # encode_token_ngrams over sorted ngram_sizes
        idx = _ngram_indices(x, n, tables[n].shape[0])
        ids = jnp.take(tables[n], idx, axis=0)  # lookup_table.get(window, ...)
        ngram_tensors.append(ids)
    return jnp.stack(ngram_tensors, axis=0)  # stack_ngrams -> [len(ngram_sizes), B, S]

if __name__ == "__main__":
    import jax
    _d = setup_inputs()
    print(jax.jit(kernel)(*tuple(_d.values())))

</pallas_src>

<mosaic_0001>
#map = affine_map<(d0, d1) -> (0)>
module attributes {stable_mosaic.version = 14 : i64} {
  func.func @_gather_body(%arg0: i32, %arg1: i32, %arg2: memref<2457600xi32, #tpu.memory_space<hbm>>, %arg3: memref<1000000xf32, #tpu.memory_space<hbm>>, %arg4: memref<1000000xf32, #tpu.memory_space<hbm>>, %arg5: memref<1000000xf32, #tpu.memory_space<hbm>>, %arg6: memref<2457600xf32, #tpu.memory_space<hbm>>, %arg7: memref<6400xi32, #tpu.memory_space<vmem>>, %arg8: memref<6400xi32, #tpu.memory_space<vmem>>, %arg9: memref<6400xf32, #tpu.memory_space<vmem>>, %arg10: memref<6400xf32, #tpu.memory_space<vmem>>, %arg11: memref<15640xf32, #tpu.memory_space<vmem>>, %arg12: memref<15640xf32, #tpu.memory_space<vmem>>, %arg13: memref<1000000xf32, #tpu.memory_space<vmem_shared>>, %arg14: memref<!tpu.dma_semaphore, #tpu.memory_space<semaphore_mem>>, %arg15: memref<!tpu.dma_semaphore, #tpu.memory_space<semaphore_mem>>, %arg16: memref<!tpu.dma_semaphore, #tpu.memory_space<semaphore_mem>>, %arg17: memref<!tpu.dma_semaphore, #tpu.memory_space<semaphore_mem>>, %arg18: memref<!tpu.dma_semaphore, #tpu.memory_space<semaphore_mem>>) attributes {dimension_semantics = [#tpu.dimension_semantics<core_parallel>, #tpu.dimension_semantics<subcore_parallel>], iteration_bounds = array<i64: 2, 16>, scalar_prefetch = 0 : i64, scratch_operands = 12 : i64, tpu.core_type = #tpu.core_type<sc_vector_subcore>, window_params = [{transform_indices = #map}, {transform_indices = #map}, {transform_indices = #map}, {transform_indices = #map}, {transform_indices = #map}]} {
    %mul3A = arith.constant 2 : i32
    %mul3A_0 = arith.muli %arg1, %mul3A : i32
    %add3A = arith.addi %mul3A_0, %arg0 : i32
    %mul3A_1 = arith.constant 25600 : i32
    %mul3A_2 = arith.muli %add3A, %mul3A_1 : i32
    %mul3A_3 = arith.constant 62496 : i32
    %mul3A_4 = arith.muli %arg1, %mul3A_3 : i32
    %min3A = arith.constant 937440 : i32
    %min3A_5 = arith.minsi %mul3A_4, %min3A : i32
    %add3A_6 = arith.constant 0 : i32
    %add3A_7 = arith.addi %add3A_6, %mul3A_2 : i32
    %add3A_8 = arith.constant 0 : i32
    %add3A_9 = arith.addi %add3A_7, %add3A_8 : i32
    %dma_start3A = tpu.memref_slice %arg2[%add3A_9] : memref<2457600xi32, #tpu.memory_space<hbm>> -> memref<6400xi32, #tpu.memory_space<hbm>>
    %dma_start3A_10 = tpu.memref_slice %arg2[%add3A_9] : memref<2457600xi32, #tpu.memory_space<hbm>> -> memref<6400xi32, #tpu.memory_space<hbm>>
    tpu.enqueue_dma source(%dma_start3A_10 : memref<6400xi32, #tpu.memory_space<hbm>>) target(%arg7 : memref<6400xi32, #tpu.memory_space<vmem>>) target_semaphore(%arg16 : memref<!tpu.dma_semaphore, #tpu.memory_space<semaphore_mem>>)
    %add3A_11 = arith.constant 0 : i32
    %add3A_12 = arith.addi %min3A_5, %add3A_11 : i32
    %dma_start3A_13 = tpu.memref_slice %arg3[%add3A_12] : memref<1000000xf32, #tpu.memory_space<hbm>> -> memref<15640xf32, #tpu.memory_space<hbm>>
    %dma_start3A_14 = tpu.memref_slice %arg3[%add3A_12] : memref<1000000xf32, #tpu.memory_space<hbm>> -> memref<15640xf32, #tpu.memory_space<hbm>>
    tpu.enqueue_dma source(%dma_start3A_14 : memref<15640xf32, #tpu.memory_space<hbm>>) target(%arg11 : memref<15640xf32, #tpu.memory_space<vmem>>) target_semaphore(%arg14 : memref<!tpu.dma_semaphore, #tpu.memory_space<semaphore_mem>>)
    %add3A_15 = arith.constant 15640 : i32
    %add3A_16 = arith.addi %min3A_5, %add3A_15 : i32
    %dma_start3A_17 = tpu.memref_slice %arg3[%add3A_16] : memref<1000000xf32, #tpu.memory_space<hbm>> -> memref<15640xf32, #tpu.memory_space<hbm>>
    %dma_start3A_18 = tpu.memref_slice %arg3[%add3A_16] : memref<1000000xf32, #tpu.memory_space<hbm>> -> memref<15640xf32, #tpu.memory_space<hbm>>
    tpu.enqueue_dma source(%dma_start3A_18 : memref<15640xf32, #tpu.memory_space<hbm>>) target(%arg12 : memref<15640xf32, #tpu.memory_space<vmem>>) target_semaphore(%arg14 : memref<!tpu.dma_semaphore, #tpu.memory_space<semaphore_mem>>)
    %dma_wait3A = tpu.memref_slice %arg3[%add3A_12] : memref<1000000xf32, #tpu.memory_space<hbm>> -> memref<15640xf32, #tpu.memory_space<hbm>>
    %dma_wait3A_19 = tpu.memref_slice %arg3[%add3A_12] : memref<1000000xf32, #tpu.memory_space<hbm>> -> memref<15640xf32, #tpu.memory_space<hbm>>
    tpu.wait_dma2 semaphore(%arg14 : memref<!tpu.dma_semaphore, #tpu.memory_space<semaphore_mem>>) src(%dma_wait3A_19 : memref<15640xf32, #tpu.memory_space<hbm>>) dst(%arg11 : memref<15640xf32, #tpu.memory_space<vmem>>)
    %add3A_20 = arith.constant 0 : i32
    %add3A_21 = arith.addi %min3A_5, %add3A_20 : i32
    %dma_start3A_22 = tpu.memref_slice %arg13[%add3A_21] : memref<1000000xf32, #tpu.memory_space<vmem_shared>> -> memref<15640xf32, #tpu.memory_space<vmem_shared>>
    %dma_start3A_23 = tpu.memref_slice %arg13[%add3A_21] : memref<1000000xf32, #tpu.memory_space<vmem_shared>> -> memref<15640xf32, #tpu.memory_space<vmem_shared>>
    tpu.enqueue_dma source(%arg11 : memref<15640xf32, #tpu.memory_space<vmem>>) target(%dma_start3A_23 : memref<15640xf32, #tpu.memory_space<vmem_shared>>) target_semaphore(%arg15 : memref<!tpu.dma_semaphore, #tpu.memory_space<semaphore_mem>>)
    %dma_wait3A_24 = tpu.memref_slice %arg13[%add3A_21] : memref<1000000xf32, #tpu.memory_space<vmem_shared>> -> memref<15640xf32, #tpu.memory_space<vmem_shared>>
    %dma_wait3A_25 = tpu.memref_slice %arg13[%add3A_21] : memref<1000000xf32, #tpu.memory_space<vmem_shared>> -> memref<15640xf32, #tpu.memory_space<vmem_shared>>
    tpu.wait_dma2 semaphore(%arg15 : memref<!tpu.dma_semaphore, #tpu.memory_space<semaphore_mem>>) src(%arg11 : memref<15640xf32, #tpu.memory_space<vmem>>) dst(%dma_wait3A_25 : memref<15640xf32, #tpu.memory_space<vmem_shared>>)
    %add3A_26 = arith.constant 31280 : i32
    %add3A_27 = arith.addi %min3A_5, %add3A_26 : i32
    %dma_start3A_28 = tpu.memref_slice %arg3[%add3A_27] : memref<1000000xf32, #tpu.memory_space<hbm>> -> memref<15640xf32, #tpu.memory_space<hbm>>
    %dma_start3A_29 = tpu.memref_slice %arg3[%add3A_27] : memref<1000000xf32, #tpu.memory_space<hbm>> -> memref<15640xf32, #tpu.memory_space<hbm>>
    tpu.enqueue_dma source(%dma_start3A_29 : memref<15640xf32, #tpu.memory_space<hbm>>) target(%arg11 : memref<15640xf32, #tpu.memory_space<vmem>>) target_semaphore(%arg14 : memref<!tpu.dma_semaphore, #tpu.memory_space<semaphore_mem>>)
    %dma_wait3A_30 = tpu.memref_slice %arg3[%add3A_16] : memref<1000000xf32, #tpu.memory_space<hbm>> -> memref<15640xf32, #tpu.memory_space<hbm>>
    %dma_wait3A_31 = tpu.memref_slice %arg3[%add3A_16] : memref<1000000xf32, #tpu.memory_space<hbm>> -> memref<15640xf32, #tpu.memory_space<hbm>>
    tpu.wait_dma2 semaphore(%arg14 : memref<!tpu.dma_semaphore, #tpu.memory_space<semaphore_mem>>) src(%dma_wait3A_31 : memref<15640xf32, #tpu.memory_space<hbm>>) dst(%arg12 : memref<15640xf32, #tpu.memory_space<vmem>>)
    %add3A_32 = arith.constant 15640 : i32
    %add3A_33 = arith.addi %min3A_5, %add3A_32 : i32
    %dma_start3A_34 = tpu.memref_slice %arg13[%add3A_33] : memref<1000000xf32, #tpu.memory_space<vmem_shared>> -> memref<15640xf32, #tpu.memory_space<vmem_shared>>
    %dma_start3A_35 = tpu.memref_slice %arg13[%add3A_33] : memref<1000000xf32, #tpu.memory_space<vmem_shared>> -> memref<15640xf32, #tpu.memory_space<vmem_shared>>
    tpu.enqueue_dma source(%arg12 : memref<15640xf32, #tpu.memory_space<vmem>>) target(%dma_start3A_35 : memref<15640xf32, #tpu.memory_space<vmem_shared>>) target_semaphore(%arg15 : memref<!tpu.dma_semaphore, #tpu.memory_space<semaphore_mem>>)
    %dma_wait3A_36 = tpu.memref_slice %arg13[%add3A_33] : memref<1000000xf32, #tpu.memory_space<vmem_shared>> -> memref<15640xf32, #tpu.memory_space<vmem_shared>>
    %dma_wait3A_37 = tpu.memref_slice %arg13[%add3A_33] : memref<1000000xf32, #tpu.memory_space<vmem_shared>> -> memref<15640xf32, #tpu.memory_space<vmem_shared>>
    tpu.wait_dma2 semaphore(%arg15 : memref<!tpu.dma_semaphore, #tpu.memory_space<semaphore_mem>>) src(%arg12 : memref<15640xf32, #tpu.memory_space<vmem>>) dst(%dma_wait3A_37 : memref<15640xf32, #tpu.memory_space<vmem_shared>>)
    %add3A_38 = arith.constant 46920 : i32
    %add3A_39 = arith.addi %min3A_5, %add3A_38 : i32
    %dma_start3A_40 = tpu.memref_slice %arg3[%add3A_39] : memref<1000000xf32, #tpu.memory_space<hbm>> -> memref<15640xf32, #tpu.memory_space<hbm>>
    %dma_start3A_41 = tpu.memref_slice %arg3[%add3A_39] : memref<1000000xf32, #tpu.memory_space<hbm>> -> memref<15640xf32, #tpu.memory_space<hbm>>
    tpu.enqueue_dma source(%dma_start3A_41 : memref<15640xf32, #tpu.memory_space<hbm>>) target(%arg12 : memref<15640xf32, #tpu.memory_space<vmem>>) target_semaphore(%arg14 : memref<!tpu.dma_semaphore, #tpu.memory_space<semaphore_mem>>)
    %dma_wait3A_42 = tpu.memref_slice %arg3[%add3A_27] : memref<1000000xf32, #tpu.memory_space<hbm>> -> memref<15640xf32, #tpu.memory_space<hbm>>
    %dma_wait3A_43 = tpu.memref_slice %arg3[%add3A_27] : memref<1000000xf32, #tpu.memory_space<hbm>> -> memref<15640xf32, #tpu.memory_space<hbm>>
    tpu.wait_dma2 semaphore(%arg14 : memref<!tpu.dma_semaphore, #tpu.memory_space<semaphore_mem>>) src(%dma_wait3A_43 : memref<15640xf32, #tpu.memory_space<hbm>>) dst(%arg11 : memref<15640xf32, #tpu.memory_space<vmem>>)
    %add3A_44 = arith.constant 31280 : i32
    %add3A_45 = arith.addi %min3A_5, %add3A_44 : i32
    %dma_start3A_46 = tpu.memref_slice %arg13[%add3A_45] : memref<1000000xf32, #tpu.memory_space<vmem_shared>> -> memref<15640xf32, #tpu.memory_space<vmem_shared>>
    %dma_start3A_47 = tpu.memref_slice %arg13[%add3A_45] : memref<1000000xf32, #tpu.memory_space<vmem_shared>> -> memref<15640xf32, #tpu.memory_space<vmem_shared>>
    tpu.enqueue_dma source(%arg11 : memref<15640xf32, #tpu.memory_space<vmem>>) target(%dma_start3A_47 : memref<15640xf32, #tpu.memory_space<vmem_shared>>) target_semaphore(%arg15 : memref<!tpu.dma_semaphore, #tpu.memory_space<semaphore_mem>>)
    %dma_wait3A_48 = tpu.memref_slice %arg3[%add3A_39] : memref<1000000xf32, #tpu.memory_space<hbm>> -> memref<15640xf32, #tpu.memory_space<hbm>>
    %dma_wait3A_49 = tpu.memref_slice %arg3[%add3A_39] : memref<1000000xf32, #tpu.memory_space<hbm>> -> memref<15640xf32, #tpu.memory_space<hbm>>
    tpu.wait_dma2 semaphore(%arg14 : memref<!tpu.dma_semaphore, #tpu.memory_space<semaphore_mem>>) src(%dma_wait3A_49 : memref<15640xf32, #tpu.memory_space<hbm>>) dst(%arg12 : memref<15640xf32, #tpu.memory_space<vmem>>)
    %add3A_50 = arith.constant 46920 : i32
    %add3A_51 = arith.addi %min3A_5, %add3A_50 : i32
    %dma_start3A_52 = tpu.memref_slice %arg13[%add3A_51] : memref<1000000xf32, #tpu.memory_space<vmem_shared>> -> memref<15640xf32, #tpu.memory_space<vmem_shared>>
    %dma_start3A_53 = tpu.memref_slice %arg13[%add3A_51] : memref<1000000xf32, #tpu.memory_space<vmem_shared>> -> memref<15640xf32, #tpu.memory_space<vmem_shared>>
    tpu.enqueue_dma source(%arg12 : memref<15640xf32, #tpu.memory_space<vmem>>) target(%dma_start3A_53 : memref<15640xf32, #tpu.memory_space<vmem_shared>>) target_semaphore(%arg15 : memref<!tpu.dma_semaphore, #tpu.memory_space<semaphore_mem>>)
    %dma_wait3A_54 = tpu.memref_slice %arg13[%add3A_45] : memref<1000000xf32, #tpu.memory_space<vmem_shared>> -> memref<15640xf32, #tpu.memory_space<vmem_shared>>
    %dma_wait3A_55 = tpu.memref_slice %arg13[%add3A_45] : memref<1000000xf32, #tpu.memory_space<vmem_shared>> -> memref<15640xf32, #tpu.memory_space<vmem_shared>>
    tpu.wait_dma2 semaphore(%arg15 : memref<!tpu.dma_semaphore, #tpu.memory_space<semaphore_mem>>) src(%arg11 : memref<15640xf32, #tpu.memory_space<vmem>>) dst(%dma_wait3A_55 : memref<15640xf32, #tpu.memory_space<vmem_shared>>)
    %dma_wait3A_56 = tpu.memref_slice %arg13[%add3A_51] : memref<1000000xf32, #tpu.memory_space<vmem_shared>> -> memref<15640xf32, #tpu.memory_space<vmem_shared>>
    %dma_wait3A_57 = tpu.memref_slice %arg13[%add3A_51] : memref<1000000xf32, #tpu.memory_space<vmem_shared>> -> memref<15640xf32, #tpu.memory_space<vmem_shared>>
    tpu.wait_dma2 semaphore(%arg15 : memref<!tpu.dma_semaphore, #tpu.memory_space<semaphore_mem>>) src(%arg12 : memref<15640xf32, #tpu.memory_space<vmem>>) dst(%dma_wait3A_57 : memref<15640xf32, #tpu.memory_space<vmem_shared>>)
    %barrier3A = arith.constant 0 : index
    tpu.barrier barrier_id(%barrier3A)
    %dma_wait3A_58 = tpu.memref_slice %arg2[%add3A_9] : memref<2457600xi32, #tpu.memory_space<hbm>> -> memref<6400xi32, #tpu.memory_space<hbm>>
    %dma_wait3A_59 = tpu.memref_slice %arg2[%add3A_9] : memref<2457600xi32, #tpu.memory_space<hbm>> -> memref<6400xi32, #tpu.memory_space<hbm>>
    tpu.wait_dma2 semaphore(%arg16 : memref<!tpu.dma_semaphore, #tpu.memory_space<semaphore_mem>>) src(%dma_wait3A_59 : memref<6400xi32, #tpu.memory_space<hbm>>) dst(%arg7 : memref<6400xi32, #tpu.memory_space<vmem>>)
    %dma_start3A_60 = arith.constant 0 : i32
    %dma_start3A_61 = tpu.memref_slice %arg13[%dma_start3A_60] : memref<1000000xf32, #tpu.memory_space<vmem_shared>> -> memref<1000000xf32, #tpu.memory_space<vmem_shared>>
    tpu.enqueue_indirect_dma source(%dma_start3A_61 : memref<1000000xf32, #tpu.memory_space<vmem_shared>>) target(%arg9 : memref<6400xf32, #tpu.memory_space<vmem>>) offsets(%arg7 : memref<6400xi32, #tpu.memory_space<vmem>>) semaphore(%arg17 : memref<!tpu.dma_semaphore, #tpu.memory_space<semaphore_mem>>)
    %add3A_62 = arith.constant 0 : i32
    %add3A_63 = arith.addi %add3A_62, %mul3A_2 : i32
    %add3A_64 = arith.constant 6400 : i32
    %add3A_65 = arith.addi %add3A_63, %add3A_64 : i32
    %dma_start3A_66 = tpu.memref_slice %arg2[%add3A_65] : memref<2457600xi32, #tpu.memory_space<hbm>> -> memref<6400xi32, #tpu.memory_space<hbm>>
    %dma_start3A_67 = tpu.memref_slice %arg2[%add3A_65] : memref<2457600xi32, #tpu.memory_space<hbm>> -> memref<6400xi32, #tpu.memory_space<hbm>>
    tpu.enqueue_dma source(%dma_start3A_67 : memref<6400xi32, #tpu.memory_space<hbm>>) target(%arg8 : memref<6400xi32, #tpu.memory_space<vmem>>) target_semaphore(%arg16 : memref<!tpu.dma_semaphore, #tpu.memory_space<semaphore_mem>>)
    %dma_wait3A_68 = tpu.memref_slice %arg2[%add3A_65] : memref<2457600xi32, #tpu.memory_space<hbm>> -> memref<6400xi32, #tpu.memory_space<hbm>>
    %dma_wait3A_69 = tpu.memref_slice %arg2[%add3A_65] : memref<2457600xi32, #tpu.memory_space<hbm>> -> memref<6400xi32, #tpu.memory_space<hbm>>
    tpu.wait_dma2 semaphore(%arg16 : memref<!tpu.dma_semaphore, #tpu.memory_space<semaphore_mem>>) src(%dma_wait3A_69 : memref<6400xi32, #tpu.memory_space<hbm>>) dst(%arg8 : memref<6400xi32, #tpu.memory_space<vmem>>)
    %dma_start3A_70 = arith.constant 0 : i32
    %dma_start3A_71 = tpu.memref_slice %arg13[%dma_start3A_70] : memref<1000000xf32, #tpu.memory_space<vmem_shared>> -> memref<1000000xf32, #tpu.memory_space<vmem_shared>>
    tpu.enqueue_indirect_dma source(%dma_start3A_71 : memref<1000000xf32, #tpu.memory_space<vmem_shared>>) target(%arg10 : memref<6400xf32, #tpu.memory_space<vmem>>) offsets(%arg8 : memref<6400xi32, #tpu.memory_space<vmem>>) semaphore(%arg17 : memref<!tpu.dma_semaphore, #tpu.memory_space<semaphore_mem>>)
    %dma_wait3A_72 = arith.constant 0 : i32
    %dma_wait3A_73 = tpu.memref_slice %arg13[%dma_wait3A_72] : memref<1000000xf32, #tpu.memory_space<vmem_shared>> -> memref<1000000xf32, #tpu.memory_space<vmem_shared>>
    tpu.wait_indirect_dma semaphore(%arg17 : memref<!tpu.dma_semaphore, #tpu.memory_space<semaphore_mem>>) src(%dma_wait3A_73 : memref<1000000xf32, #tpu.memory_space<vmem_shared>>) dst(%arg9 : memref<6400xf32, #tpu.memory_space<vmem>>)
    %add3A_74 = arith.constant 0 : i32
    %add3A_75 = arith.addi %add3A_74, %mul3A_2 : i32
    %add3A_76 = arith.constant 0 : i32
    %add3A_77 = arith.addi %add3A_75, %add3A_76 : i32
    %dma_start3A_78 = tpu.memref_slice %arg6[%add3A_77] : memref<2457600xf32, #tpu.memory_space<hbm>> -> memref<6400xf32, #tpu.memory_space<hbm>>
    %dma_start3A_79 = tpu.memref_slice %arg6[%add3A_77] : memref<2457600xf32, #tpu.memory_space<hbm>> -> memref<6400xf32, #tpu.memory_space<hbm>>
    tpu.enqueue_dma source(%arg9 : memref<6400xf32, #tpu.memory_space<vmem>>) target(%dma_start3A_79 : memref<6400xf32, #tpu.memory_space<hbm>>) target_semaphore(%arg18 : memref<!tpu.dma_semaphore, #tpu.memory_space<semaphore_mem>>)
    %add3A_80 = arith.constant 0 : i32
    %add3A_81 = arith.addi %add3A_80, %mul3A_2 : i32
    %add3A_82 = arith.constant 12800 : i32
    %add3A_83 = arith.addi %add3A_81, %add3A_82 : i32
    %dma_start3A_84 = tpu.memref_slice %arg2[%add3A_83] : memref<2457600xi32, #tpu.memory_space<hbm>> -> memref<6400xi32, #tpu.memory_space<hbm>>
    %dma_start3A_85 = tpu.memref_slice %arg2[%add3A_83] : memref<2457600xi32, #tpu.memory_space<hbm>> -> memref<6400xi32, #tpu.memory_space<hbm>>
    tpu.enqueue_dma source(%dma_start3A_85 : memref<6400xi32, #tpu.memory_space<hbm>>) target(%arg7 : memref<6400xi32, #tpu.memory_space<vmem>>) target_semaphore(%arg16 : memref<!tpu.dma_semaphore, #tpu.memory_space<semaphore_mem>>)
    %dma_wait3A_86 = tpu.memref_slice %arg2[%add3A_83] : memref<2457600xi32, #tpu.memory_space<hbm>> -> memref<6400xi32, #tpu.memory_space<hbm>>
    %dma_wait3A_87 = tpu.memref_slice %arg2[%add3A_83] : memref<2457600xi32, #tpu.memory_space<hbm>> -> memref<6400xi32, #tpu.memory_space<hbm>>
    tpu.wait_dma2 semaphore(%arg16 : memref<!tpu.dma_semaphore, #tpu.memory_space<semaphore_mem>>) src(%dma_wait3A_87 : memref<6400xi32, #tpu.memory_space<hbm>>) dst(%arg7 : memref<6400xi32, #tpu.memory_space<vmem>>)
    %dma_wait3A_88 = tpu.memref_slice %arg6[%add3A_77] : memref<2457600xf32, #tpu.memory_space<hbm>> -> memref<6400xf32, #tpu.memory_space<hbm>>
    %dma_wait3A_89 = tpu.memref_slice %arg6[%add3A_77] : memref<2457600xf32, #tpu.memory_space<hbm>> -> memref<6400xf32, #tpu.memory_space<hbm>>
    tpu.wait_dma2 semaphore(%arg18 : memref<!tpu.dma_semaphore, #tpu.memory_space<semaphore_mem>>) src(%arg9 : memref<6400xf32, #tpu.memory_space<vmem>>) dst(%dma_wait3A_89 : memref<6400xf32, #tpu.memory_space<hbm>>)
    %dma_start3A_90 = arith.constant 0 : i32
    %dma_start3A_91 = tpu.memref_slice %arg13[%dma_start3A_90] : memref<1000000xf32, #tpu.memory_space<vmem_shared>> -> memref<1000000xf32, #tpu.memory_space<vmem_shared>>
    tpu.enqueue_indirect_dma source(%dma_start3A_91 : memref<1000000xf32, #tpu.memory_space<vmem_shared>>) target(%arg9 : memref<6400xf32, #tpu.memory_space<vmem>>) offsets(%arg7 : memref<6400xi32, #tpu.memory_space<vmem>>) semaphore(%arg17 : memref<!tpu.dma_semaphore, #tpu.memory_space<semaphore_mem>>)
    %dma_wait3A_92 = arith.constant 0 : i32
    %dma_wait3A_93 = tpu.memref_slice %arg13[%dma_wait3A_92] : memref<1000000xf32, #tpu.memory_space<vmem_shared>> -> memref<1000000xf32, #tpu.memory_space<vmem_shared>>
    tpu.wait_indirect_dma semaphore(%arg17 : memref<!tpu.dma_semaphore, #tpu.memory_space<semaphore_mem>>) src(%dma_wait3A_93 : memref<1000000xf32, #tpu.memory_space<vmem_shared>>) dst(%arg10 : memref<6400xf32, #tpu.memory_space<vmem>>)
    %add3A_94 = arith.constant 0 : i32
    %add3A_95 = arith.addi %add3A_94, %mul3A_2 : i32
    %add3A_96 = arith.constant 6400 : i32
    %add3A_97 = arith.addi %add3A_95, %add3A_96 : i32
    %dma_start3A_98 = tpu.memref_slice %arg6[%add3A_97] : memref<2457600xf32, #tpu.memory_space<hbm>> -> memref<6400xf32, #tpu.memory_space<hbm>>
    %dma_start3A_99 = tpu.memref_slice %arg6[%add3A_97] : memref<2457600xf32, #tpu.memory_space<hbm>> -> memref<6400xf32, #tpu.memory_space<hbm>>
    tpu.enqueue_dma source(%arg10 : memref<6400xf32, #tpu.memory_space<vmem>>) target(%dma_start3A_99 : memref<6400xf32, #tpu.memory_space<hbm>>) target_semaphore(%arg18 : memref<!tpu.dma_semaphore, #tpu.memory_space<semaphore_mem>>)
    %add3A_100 = arith.constant 0 : i32
    %add3A_101 = arith.addi %add3A_100, %mul3A_2 : i32
    %add3A_102 = arith.constant 19200 : i32
    %add3A_103 = arith.addi %add3A_101, %add3A_102 : i32
    %dma_start3A_104 = tpu.memref_slice %arg2[%add3A_103] : memref<2457600xi32, #tpu.memory_space<hbm>> -> memref<6400xi32, #tpu.memory_space<hbm>>
    %dma_start3A_105 = tpu.memref_slice %arg2[%add3A_103] : memref<2457600xi32, #tpu.memory_space<hbm>> -> memref<6400xi32, #tpu.memory_space<hbm>>
    tpu.enqueue_dma source(%dma_start3A_105 : memref<6400xi32, #tpu.memory_space<hbm>>) target(%arg8 : memref<6400xi32, #tpu.memory_space<vmem>>) target_semaphore(%arg16 : memref<!tpu.dma_semaphore, #tpu.memory_space<semaphore_mem>>)
    %dma_wait3A_106 = tpu.memref_slice %arg2[%add3A_103] : memref<2457600xi32, #tpu.memory_space<hbm>> -> memref<6400xi32, #tpu.memory_space<hbm>>
    %dma_wait3A_107 = tpu.memref_slice %arg2[%add3A_103] : memref<2457600xi32, #tpu.memory_space<hbm>> -> memref<6400xi32, #tpu.memory_space<hbm>>
    tpu.wait_dma2 semaphore(%arg16 : memref<!tpu.dma_semaphore, #tpu.memory_space<semaphore_mem>>) src(%dma_wait3A_107 : memref<6400xi32, #tpu.memory_space<hbm>>) dst(%arg8 : memref<6400xi32, #tpu.memory_space<vmem>>)
    %dma_wait3A_108 = tpu.memref_slice %arg6[%add3A_97] : memref<2457600xf32, #tpu.memory_space<hbm>> -> memref<6400xf32, #tpu.memory_space<hbm>>
    %dma_wait3A_109 = tpu.memref_slice %arg6[%add3A_97] : memref<2457600xf32, #tpu.memory_space<hbm>> -> memref<6400xf32, #tpu.memory_space<hbm>>
    tpu.wait_dma2 semaphore(%arg18 : memref<!tpu.dma_semaphore, #tpu.memory_space<semaphore_mem>>) src(%arg10 : memref<6400xf32, #tpu.memory_space<vmem>>) dst(%dma_wait3A_109 : memref<6400xf32, #tpu.memory_space<hbm>>)
    %dma_start3A_110 = arith.constant 0 : i32
    %dma_start3A_111 = tpu.memref_slice %arg13[%dma_start3A_110] : memref<1000000xf32, #tpu.memory_space<vmem_shared>> -> memref<1000000xf32, #tpu.memory_space<vmem_shared>>
    tpu.enqueue_indirect_dma source(%dma_start3A_111 : memref<1000000xf32, #tpu.memory_space<vmem_shared>>) target(%arg10 : memref<6400xf32, #tpu.memory_space<vmem>>) offsets(%arg8 : memref<6400xi32, #tpu.memory_space<vmem>>) semaphore(%arg17 : memref<!tpu.dma_semaphore, #tpu.memory_space<semaphore_mem>>)
    %dma_wait3A_112 = arith.constant 0 : i32
    %dma_wait3A_113 = tpu.memref_slice %arg13[%dma_wait3A_112] : memref<1000000xf32, #tpu.memory_space<vmem_shared>> -> memref<1000000xf32, #tpu.memory_space<vmem_shared>>
    tpu.wait_indirect_dma semaphore(%arg17 : memref<!tpu.dma_semaphore, #tpu.memory_space<semaphore_mem>>) src(%dma_wait3A_113 : memref<1000000xf32, #tpu.memory_space<vmem_shared>>) dst(%arg9 : memref<6400xf32, #tpu.memory_space<vmem>>)
    %add3A_114 = arith.constant 0 : i32
    %add3A_115 = arith.addi %add3A_114, %mul3A_2 : i32
    %add3A_116 = arith.constant 12800 : i32
    %add3A_117 = arith.addi %add3A_115, %add3A_116 : i32
    %dma_start3A_118 = tpu.memref_slice %arg6[%add3A_117] : memref<2457600xf32, #tpu.memory_space<hbm>> -> memref<6400xf32, #tpu.memory_space<hbm>>
    %dma_start3A_119 = tpu.memref_slice %arg6[%add3A_117] : memref<2457600xf32, #tpu.memory_space<hbm>> -> memref<6400xf32, #tpu.memory_space<hbm>>
    tpu.enqueue_dma source(%arg9 : memref<6400xf32, #tpu.memory_space<vmem>>) target(%dma_start3A_119 : memref<6400xf32, #tpu.memory_space<hbm>>) target_semaphore(%arg18 : memref<!tpu.dma_semaphore, #tpu.memory_space<semaphore_mem>>)
    %add3A_120 = arith.constant 819200 : i32
    %add3A_121 = arith.addi %add3A_120, %mul3A_2 : i32
    %add3A_122 = arith.constant 0 : i32
    %add3A_123 = arith.addi %add3A_121, %add3A_122 : i32
    %dma_start3A_124 = tpu.memref_slice %arg2[%add3A_123] : memref<2457600xi32, #tpu.memory_space<hbm>> -> memref<6400xi32, #tpu.memory_space<hbm>>
    %dma_start3A_125 = tpu.memref_slice %arg2[%add3A_123] : memref<2457600xi32, #tpu.memory_space<hbm>> -> memref<6400xi32, #tpu.memory_space<hbm>>
    tpu.enqueue_dma source(%dma_start3A_125 : memref<6400xi32, #tpu.memory_space<hbm>>) target(%arg7 : memref<6400xi32, #tpu.memory_space<vmem>>) target_semaphore(%arg16 : memref<!tpu.dma_semaphore, #tpu.memory_space<semaphore_mem>>)
    %dma_wait3A_126 = arith.constant 0 : i32
    %dma_wait3A_127 = tpu.memref_slice %arg13[%dma_wait3A_126] : memref<1000000xf32, #tpu.memory_space<vmem_shared>> -> memref<1000000xf32, #tpu.memory_space<vmem_shared>>
    tpu.wait_indirect_dma semaphore(%arg17 : memref<!tpu.dma_semaphore, #tpu.memory_space<semaphore_mem>>) src(%dma_wait3A_127 : memref<1000000xf32, #tpu.memory_space<vmem_shared>>) dst(%arg10 : memref<6400xf32, #tpu.memory_space<vmem>>)
    %add3A_128 = arith.constant 0 : i32
    %add3A_129 = arith.addi %add3A_128, %mul3A_2 : i32
    %add3A_130 = arith.constant 19200 : i32
    %add3A_131 = arith.addi %add3A_129, %add3A_130 : i32
    %dma_start3A_132 = tpu.memref_slice %arg6[%add3A_131] : memref<2457600xf32, #tpu.memory_space<hbm>> -> memref<6400xf32, #tpu.memory_space<hbm>>
    %dma_start3A_133 = tpu.memref_slice %arg6[%add3A_131] : memref<2457600xf32, #tpu.memory_space<hbm>> -> memref<6400xf32, #tpu.memory_space<hbm>>
    tpu.enqueue_dma source(%arg10 : memref<6400xf32, #tpu.memory_space<vmem>>) target(%dma_start3A_133 : memref<6400xf32, #tpu.memory_space<hbm>>) target_semaphore(%arg18 : memref<!tpu.dma_semaphore, #tpu.memory_space<semaphore_mem>>)
    %barrier3A_134 = arith.constant 0 : index
    tpu.barrier barrier_id(%barrier3A_134)
    %add3A_135 = arith.constant 0 : i32
    %add3A_136 = arith.addi %min3A_5, %add3A_135 : i32
    %dma_start3A_137 = tpu.memref_slice %arg4[%add3A_136] : memref<1000000xf32, #tpu.memory_space<hbm>> -> memref<15640xf32, #tpu.memory_space<hbm>>
    %dma_start3A_138 = tpu.memref_slice %arg4[%add3A_136] : memref<1000000xf32, #tpu.memory_space<hbm>> -> memref<15640xf32, #tpu.memory_space<hbm>>
    tpu.enqueue_dma source(%dma_start3A_138 : memref<15640xf32, #tpu.memory_space<hbm>>) target(%arg11 : memref<15640xf32, #tpu.memory_space<vmem>>) target_semaphore(%arg14 : memref<!tpu.dma_semaphore, #tpu.memory_space<semaphore_mem>>)
    %add3A_139 = arith.constant 15640 : i32
    %add3A_140 = arith.addi %min3A_5, %add3A_139 : i32
    %dma_start3A_141 = tpu.memref_slice %arg4[%add3A_140] : memref<1000000xf32, #tpu.memory_space<hbm>> -> memref<15640xf32, #tpu.memory_space<hbm>>
    %dma_start3A_142 = tpu.memref_slice %arg4[%add3A_140] : memref<1000000xf32, #tpu.memory_space<hbm>> -> memref<15640xf32, #tpu.memory_space<hbm>>
    tpu.enqueue_dma source(%dma_start3A_142 : memref<15640xf32, #tpu.memory_space<hbm>>) target(%arg12 : memref<15640xf32, #tpu.memory_space<vmem>>) target_semaphore(%arg14 : memref<!tpu.dma_semaphore, #tpu.memory_space<semaphore_mem>>)
    %dma_wait3A_143 = tpu.memref_slice %arg4[%add3A_136] : memref<1000000xf32, #tpu.memory_space<hbm>> -> memref<15640xf32, #tpu.memory_space<hbm>>
    %dma_wait3A_144 = tpu.memref_slice %arg4[%add3A_136] : memref<1000000xf32, #tpu.memory_space<hbm>> -> memref<15640xf32, #tpu.memory_space<hbm>>
    tpu.wait_dma2 semaphore(%arg14 : memref<!tpu.dma_semaphore, #tpu.memory_space<semaphore_mem>>) src(%dma_wait3A_144 : memref<15640xf32, #tpu.memory_space<hbm>>) dst(%arg11 : memref<15640xf32, #tpu.memory_space<vmem>>)
    %add3A_145 = arith.constant 0 : i32
    %add3A_146 = arith.addi %min3A_5, %add3A_145 : i32
    %dma_start3A_147 = tpu.memref_slice %arg13[%add3A_146] : memref<1000000xf32, #tpu.memory_space<vmem_shared>> -> memref<15640xf32, #tpu.memory_space<vmem_shared>>
    %dma_start3A_148 = tpu.memref_slice %arg13[%add3A_146] : memref<1000000xf32, #tpu.memory_space<vmem_shared>> -> memref<15640xf32, #tpu.memory_space<vmem_shared>>
    tpu.enqueue_dma source(%arg11 : memref<15640xf32, #tpu.memory_space<vmem>>) target(%dma_start3A_148 : memref<15640xf32, #tpu.memory_space<vmem_shared>>) target_semaphore(%arg15 : memref<!tpu.dma_semaphore, #tpu.memory_space<semaphore_mem>>)
    %dma_wait3A_149 = tpu.memref_slice %arg13[%add3A_146] : memref<1000000xf32, #tpu.memory_space<vmem_shared>> -> memref<15640xf32, #tpu.memory_space<vmem_shared>>
    %dma_wait3A_150 = tpu.memref_slice %arg13[%add3A_146] : memref<1000000xf32, #tpu.memory_space<vmem_shared>> -> memref<15640xf32, #tpu.memory_space<vmem_shared>>
    tpu.wait_dma2 semaphore(%arg15 : memref<!tpu.dma_semaphore, #tpu.memory_space<semaphore_mem>>) src(%arg11 : memref<15640xf32, #tpu.memory_space<vmem>>) dst(%dma_wait3A_150 : memref<15640xf32, #tpu.memory_space<vmem_shared>>)
    %add3A_151 = arith.constant 31280 : i32
    %add3A_152 = arith.addi %min3A_5, %add3A_151 : i32
    %dma_start3A_153 = tpu.memref_slice %arg4[%add3A_152] : memref<1000000xf32, #tpu.memory_space<hbm>> -> memref<15640xf32, #tpu.memory_space<hbm>>
    %dma_start3A_154 = tpu.memref_slice %arg4[%add3A_152] : memref<1000000xf32, #tpu.memory_space<hbm>> -> memref<15640xf32, #tpu.memory_space<hbm>>
    tpu.enqueue_dma source(%dma_start3A_154 : memref<15640xf32, #tpu.memory_space<hbm>>) target(%arg11 : memref<15640xf32, #tpu.memory_space<vmem>>) target_semaphore(%arg14 : memref<!tpu.dma_semaphore, #tpu.memory_space<semaphore_mem>>)
    %dma_wait3A_155 = tpu.memref_slice %arg4[%add3A_140] : memref<1000000xf32, #tpu.memory_space<hbm>> -> memref<15640xf32, #tpu.memory_space<hbm>>
    %dma_wait3A_156 = tpu.memref_slice %arg4[%add3A_140] : memref<1000000xf32, #tpu.memory_space<hbm>> -> memref<15640xf32, #tpu.memory_space<hbm>>
    tpu.wait_dma2 semaphore(%arg14 : memref<!tpu.dma_semaphore, #tpu.memory_space<semaphore_mem>>) src(%dma_wait3A_156 : memref<15640xf32, #tpu.memory_space<hbm>>) dst(%arg12 : memref<15640xf32, #tpu.memory_space<vmem>>)
    %add3A_157 = arith.constant 15640 : i32
    %add3A_158 = arith.addi %min3A_5, %add3A_157 : i32
    %dma_start3A_159 = tpu.memref_slice %arg13[%add3A_158] : memref<1000000xf32, #tpu.memory_space<vmem_shared>> -> memref<15640xf32, #tpu.memory_space<vmem_shared>>
    %dma_start3A_160 = tpu.memref_slice %arg13[%add3A_158] : memref<1000000xf32, #tpu.memory_space<vmem_shared>> -> memref<15640xf32, #tpu.memory_space<vmem_shared>>
    tpu.enqueue_dma source(%arg12 : memref<15640xf32, #tpu.memory_space<vmem>>) target(%dma_start3A_160 : memref<15640xf32, #tpu.memory_space<vmem_shared>>) target_semaphore(%arg15 : memref<!tpu.dma_semaphore, #tpu.memory_space<semaphore_mem>>)
    %dma_wait3A_161 = tpu.memref_slice %arg13[%add3A_158] : memref<1000000xf32, #tpu.memory_space<vmem_shared>> -> memref<15640xf32, #tpu.memory_space<vmem_shared>>
    %dma_wait3A_162 = tpu.memref_slice %arg13[%add3A_158] : memref<1000000xf32, #tpu.memory_space<vmem_shared>> -> memref<15640xf32, #tpu.memory_space<vmem_shared>>
    tpu.wait_dma2 semaphore(%arg15 : memref<!tpu.dma_semaphore, #tpu.memory_space<semaphore_mem>>) src(%arg12 : memref<15640xf32, #tpu.memory_space<vmem>>) dst(%dma_wait3A_162 : memref<15640xf32, #tpu.memory_space<vmem_shared>>)
    %add3A_163 = arith.constant 46920 : i32
    %add3A_164 = arith.addi %min3A_5, %add3A_163 : i32
    %dma_start3A_165 = tpu.memref_slice %arg4[%add3A_164] : memref<1000000xf32, #tpu.memory_space<hbm>> -> memref<15640xf32, #tpu.memory_space<hbm>>
    %dma_start3A_166 = tpu.memref_slice %arg4[%add3A_164] : memref<1000000xf32, #tpu.memory_space<hbm>> -> memref<15640xf32, #tpu.memory_space<hbm>>
    tpu.enqueue_dma source(%dma_start3A_166 : memref<15640xf32, #tpu.memory_space<hbm>>) target(%arg12 : memref<15640xf32, #tpu.memory_space<vmem>>) target_semaphore(%arg14 : memref<!tpu.dma_semaphore, #tpu.memory_space<semaphore_mem>>)
    %dma_wait3A_167 = tpu.memref_slice %arg4[%add3A_152] : memref<1000000xf32, #tpu.memory_space<hbm>> -> memref<15640xf32, #tpu.memory_space<hbm>>
    %dma_wait3A_168 = tpu.memref_slice %arg4[%add3A_152] : memref<1000000xf32, #tpu.memory_space<hbm>> -> memref<15640xf32, #tpu.memory_space<hbm>>
    tpu.wait_dma2 semaphore(%arg14 : memref<!tpu.dma_semaphore, #tpu.memory_space<semaphore_mem>>) src(%dma_wait3A_168 : memref<15640xf32, #tpu.memory_space<hbm>>) dst(%arg11 : memref<15640xf32, #tpu.memory_space<vmem>>)
    %add3A_169 = arith.constant 31280 : i32
    %add3A_170 = arith.addi %min3A_5, %add3A_169 : i32
    %dma_start3A_171 = tpu.memref_slice %arg13[%add3A_170] : memref<1000000xf32, #tpu.memory_space<vmem_shared>> -> memref<15640xf32, #tpu.memory_space<vmem_shared>>
    %dma_start3A_172 = tpu.memref_slice %arg13[%add3A_170] : memref<1000000xf32, #tpu.memory_space<vmem_shared>> -> memref<15640xf32, #tpu.memory_space<vmem_shared>>
    tpu.enqueue_dma source(%arg11 : memref<15640xf32, #tpu.memory_space<vmem>>) target(%dma_start3A_172 : memref<15640xf32, #tpu.memory_space<vmem_shared>>) target_semaphore(%arg15 : memref<!tpu.dma_semaphore, #tpu.memory_space<semaphore_mem>>)
    %dma_wait3A_173 = tpu.memref_slice %arg4[%add3A_164] : memref<1000000xf32, #tpu.memory_space<hbm>> -> memref<15640xf32, #tpu.memory_space<hbm>>
    %dma_wait3A_174 = tpu.memref_slice %arg4[%add3A_164] : memref<1000000xf32, #tpu.memory_space<hbm>> -> memref<15640xf32, #tpu.memory_space<hbm>>
    tpu.wait_dma2 semaphore(%arg14 : memref<!tpu.dma_semaphore, #tpu.memory_space<semaphore_mem>>) src(%dma_wait3A_174 : memref<15640xf32, #tpu.memory_space<hbm>>) dst(%arg12 : memref<15640xf32, #tpu.memory_space<vmem>>)
    %add3A_175 = arith.constant 46920 : i32
    %add3A_176 = arith.addi %min3A_5, %add3A_175 : i32
    %dma_start3A_177 = tpu.memref_slice %arg13[%add3A_176] : memref<1000000xf32, #tpu.memory_space<vmem_shared>> -> memref<15640xf32, #tpu.memory_space<vmem_shared>>
    %dma_start3A_178 = tpu.memref_slice %arg13[%add3A_176] : memref<1000000xf32, #tpu.memory_space<vmem_shared>> -> memref<15640xf32, #tpu.memory_space<vmem_shared>>
    tpu.enqueue_dma source(%arg12 : memref<15640xf32, #tpu.memory_space<vmem>>) target(%dma_start3A_178 : memref<15640xf32, #tpu.memory_space<vmem_shared>>) target_semaphore(%arg15 : memref<!tpu.dma_semaphore, #tpu.memory_space<semaphore_mem>>)
    %dma_wait3A_179 = tpu.memref_slice %arg13[%add3A_170] : memref<1000000xf32, #tpu.memory_space<vmem_shared>> -> memref<15640xf32, #tpu.memory_space<vmem_shared>>
    %dma_wait3A_180 = tpu.memref_slice %arg13[%add3A_170] : memref<1000000xf32, #tpu.memory_space<vmem_shared>> -> memref<15640xf32, #tpu.memory_space<vmem_shared>>
    tpu.wait_dma2 semaphore(%arg15 : memref<!tpu.dma_semaphore, #tpu.memory_space<semaphore_mem>>) src(%arg11 : memref<15640xf32, #tpu.memory_space<vmem>>) dst(%dma_wait3A_180 : memref<15640xf32, #tpu.memory_space<vmem_shared>>)
    %dma_wait3A_181 = tpu.memref_slice %arg13[%add3A_176] : memref<1000000xf32, #tpu.memory_space<vmem_shared>> -> memref<15640xf32, #tpu.memory_space<vmem_shared>>
    %dma_wait3A_182 = tpu.memref_slice %arg13[%add3A_176] : memref<1000000xf32, #tpu.memory_space<vmem_shared>> -> memref<15640xf32, #tpu.memory_space<vmem_shared>>
    tpu.wait_dma2 semaphore(%arg15 : memref<!tpu.dma_semaphore, #tpu.memory_space<semaphore_mem>>) src(%arg12 : memref<15640xf32, #tpu.memory_space<vmem>>) dst(%dma_wait3A_182 : memref<15640xf32, #tpu.memory_space<vmem_shared>>)
    %barrier3A_183 = arith.constant 0 : index
    tpu.barrier barrier_id(%barrier3A_183)
    %dma_wait3A_184 = tpu.memref_slice %arg2[%add3A_123] : memref<2457600xi32, #tpu.memory_space<hbm>> -> memref<6400xi32, #tpu.memory_space<hbm>>
    %dma_wait3A_185 = tpu.memref_slice %arg2[%add3A_123] : memref<2457600xi32, #tpu.memory_space<hbm>> -> memref<6400xi32, #tpu.memory_space<hbm>>
    tpu.wait_dma2 semaphore(%arg16 : memref<!tpu.dma_semaphore, #tpu.memory_space<semaphore_mem>>) src(%dma_wait3A_185 : memref<6400xi32, #tpu.memory_space<hbm>>) dst(%arg7 : memref<6400xi32, #tpu.memory_space<vmem>>)
    %dma_wait3A_186 = tpu.memref_slice %arg6[%add3A_117] : memref<2457600xf32, #tpu.memory_space<hbm>> -> memref<6400xf32, #tpu.memory_space<hbm>>
    %dma_wait3A_187 = tpu.memref_slice %arg6[%add3A_117] : memref<2457600xf32, #tpu.memory_space<hbm>> -> memref<6400xf32, #tpu.memory_space<hbm>>
    tpu.wait_dma2 semaphore(%arg18 : memref<!tpu.dma_semaphore, #tpu.memory_space<semaphore_mem>>) src(%arg9 : memref<6400xf32, #tpu.memory_space<vmem>>) dst(%dma_wait3A_187 : memref<6400xf32, #tpu.memory_space<hbm>>)
    %dma_start3A_188 = arith.constant 0 : i32
    %dma_start3A_189 = tpu.memref_slice %arg13[%dma_start3A_188] : memref<1000000xf32, #tpu.memory_space<vmem_shared>> -> memref<1000000xf32, #tpu.memory_space<vmem_shared>>
    tpu.enqueue_indirect_dma source(%dma_start3A_189 : memref<1000000xf32, #tpu.memory_space<vmem_shared>>) target(%arg9 : memref<6400xf32, #tpu.memory_space<vmem>>) offsets(%arg7 : memref<6400xi32, #tpu.memory_space<vmem>>) semaphore(%arg17 : memref<!tpu.dma_semaphore, #tpu.memory_space<semaphore_mem>>)
    %add3A_190 = arith.constant 819200 : i32
    %add3A_191 = arith.addi %add3A_190, %mul3A_2 : i32
    %add3A_192 = arith.constant 6400 : i32
    %add3A_193 = arith.addi %add3A_191, %add3A_192 : i32
    %dma_start3A_194 = tpu.memref_slice %arg2[%add3A_193] : memref<2457600xi32, #tpu.memory_space<hbm>> -> memref<6400xi32, #tpu.memory_space<hbm>>
    %dma_start3A_195 = tpu.memref_slice %arg2[%add3A_193] : memref<2457600xi32, #tpu.memory_space<hbm>> -> memref<6400xi32, #tpu.memory_space<hbm>>
    tpu.enqueue_dma source(%dma_start3A_195 : memref<6400xi32, #tpu.memory_space<hbm>>) target(%arg8 : memref<6400xi32, #tpu.memory_space<vmem>>) target_semaphore(%arg16 : memref<!tpu.dma_semaphore, #tpu.memory_space<semaphore_mem>>)
    %dma_wait3A_196 = tpu.memref_slice %arg2[%add3A_193] : memref<2457600xi32, #tpu.memory_space<hbm>> -> memref<6400xi32, #tpu.memory_space<hbm>>
    %dma_wait3A_197 = tpu.memref_slice %arg2[%add3A_193] : memref<2457600xi32, #tpu.memory_space<hbm>> -> memref<6400xi32, #tpu.memory_space<hbm>>
    tpu.wait_dma2 semaphore(%arg16 : memref<!tpu.dma_semaphore, #tpu.memory_space<semaphore_mem>>) src(%dma_wait3A_197 : memref<6400xi32, #tpu.memory_space<hbm>>) dst(%arg8 : memref<6400xi32, #tpu.memory_space<vmem>>)
    %dma_wait3A_198 = tpu.memref_slice %arg6[%add3A_131] : memref<2457600xf32, #tpu.memory_space<hbm>> -> memref<6400xf32, #tpu.memory_space<hbm>>
    %dma_wait3A_199 = tpu.memref_slice %arg6[%add3A_131] : memref<2457600xf32, #tpu.memory_space<hbm>> -> memref<6400xf32, #tpu.memory_space<hbm>>
    tpu.wait_dma2 semaphore(%arg18 : memref<!tpu.dma_semaphore, #tpu.memory_space<semaphore_mem>>) src(%arg10 : memref<6400xf32, #tpu.memory_space<vmem>>) dst(%dma_wait3A_199 : memref<6400xf32, #tpu.memory_space<hbm>>)
    %dma_start3A_200 = arith.constant 0 : i32
    %dma_start3A_201 = tpu.memref_slice %arg13[%dma_start3A_200] : memref<1000000xf32, #tpu.memory_space<vmem_shared>> -> memref<1000000xf32, #tpu.memory_space<vmem_shared>>
    tpu.enqueue_indirect_dma source(%dma_start3A_201 : memref<1000000xf32, #tpu.memory_space<vmem_shared>>) target(%arg10 : memref<6400xf32, #tpu.memory_space<vmem>>) offsets(%arg8 : memref<6400xi32, #tpu.memory_space<vmem>>) semaphore(%arg17 : memref<!tpu.dma_semaphore, #tpu.memory_space<semaphore_mem>>)
    %dma_wait3A_202 = arith.constant 0 : i32
    %dma_wait3A_203 = tpu.memref_slice %arg13[%dma_wait3A_202] : memref<1000000xf32, #tpu.memory_space<vmem_shared>> -> memref<1000000xf32, #tpu.memory_space<vmem_shared>>
    tpu.wait_indirect_dma semaphore(%arg17 : memref<!tpu.dma_semaphore, #tpu.memory_space<semaphore_mem>>) src(%dma_wait3A_203 : memref<1000000xf32, #tpu.memory_space<vmem_shared>>) dst(%arg9 : memref<6400xf32, #tpu.memory_space<vmem>>)
    %add3A_204 = arith.constant 819200 : i32
    %add3A_205 = arith.addi %add3A_204, %mul3A_2 : i32
    %add3A_206 = arith.constant 0 : i32
    %add3A_207 = arith.addi %add3A_205, %add3A_206 : i32
    %dma_start3A_208 = tpu.memref_slice %arg6[%add3A_207] : memref<2457600xf32, #tpu.memory_space<hbm>> -> memref<6400xf32, #tpu.memory_space<hbm>>
    %dma_start3A_209 = tpu.memref_slice %arg6[%add3A_207] : memref<2457600xf32, #tpu.memory_space<hbm>> -> memref<6400xf32, #tpu.memory_space<hbm>>
    tpu.enqueue_dma source(%arg9 : memref<6400xf32, #tpu.memory_space<vmem>>) target(%dma_start3A_209 : memref<6400xf32, #tpu.memory_space<hbm>>) target_semaphore(%arg18 : memref<!tpu.dma_semaphore, #tpu.memory_space<semaphore_mem>>)
    %add3A_210 = arith.constant 819200 : i32
    %add3A_211 = arith.addi %add3A_210, %mul3A_2 : i32
    %add3A_212 = arith.constant 12800 : i32
    %add3A_213 = arith.addi %add3A_211, %add3A_212 : i32
    %dma_start3A_214 = tpu.memref_slice %arg2[%add3A_213] : memref<2457600xi32, #tpu.memory_space<hbm>> -> memref<6400xi32, #tpu.memory_space<hbm>>
    %dma_start3A_215 = tpu.memref_slice %arg2[%add3A_213] : memref<2457600xi32, #tpu.memory_space<hbm>> -> memref<6400xi32, #tpu.memory_space<hbm>>
    tpu.enqueue_dma source(%dma_start3A_215 : memref<6400xi32, #tpu.memory_space<hbm>>) target(%arg7 : memref<6400xi32, #tpu.memory_space<vmem>>) target_semaphore(%arg16 : memref<!tpu.dma_semaphore, #tpu.memory_space<semaphore_mem>>)
    %dma_wait3A_216 = tpu.memref_slice %arg2[%add3A_213] : memref<2457600xi32, #tpu.memory_space<hbm>> -> memref<6400xi32, #tpu.memory_space<hbm>>
    %dma_wait3A_217 = tpu.memref_slice %arg2[%add3A_213] : memref<2457600xi32, #tpu.memory_space<hbm>> -> memref<6400xi32, #tpu.memory_space<hbm>>
    tpu.wait_dma2 semaphore(%arg16 : memref<!tpu.dma_semaphore, #tpu.memory_space<semaphore_mem>>) src(%dma_wait3A_217 : memref<6400xi32, #tpu.memory_space<hbm>>) dst(%arg7 : memref<6400xi32, #tpu.memory_space<vmem>>)
    %dma_wait3A_218 = tpu.memref_slice %arg6[%add3A_207] : memref<2457600xf32, #tpu.memory_space<hbm>> -> memref<6400xf32, #tpu.memory_space<hbm>>
    %dma_wait3A_219 = tpu.memref_slice %arg6[%add3A_207] : memref<2457600xf32, #tpu.memory_space<hbm>> -> memref<6400xf32, #tpu.memory_space<hbm>>
    tpu.wait_dma2 semaphore(%arg18 : memref<!tpu.dma_semaphore, #tpu.memory_space<semaphore_mem>>) src(%arg9 : memref<6400xf32, #tpu.memory_space<vmem>>) dst(%dma_wait3A_219 : memref<6400xf32, #tpu.memory_space<hbm>>)
    %dma_start3A_220 = arith.constant 0 : i32
    %dma_start3A_221 = tpu.memref_slice %arg13[%dma_start3A_220] : memref<1000000xf32, #tpu.memory_space<vmem_shared>> -> memref<1000000xf32, #tpu.memory_space<vmem_shared>>
    tpu.enqueue_indirect_dma source(%dma_start3A_221 : memref<1000000xf32, #tpu.memory_space<vmem_shared>>) target(%arg9 : memref<6400xf32, #tpu.memory_space<vmem>>) offsets(%arg7 : memref<6400xi32, #tpu.memory_space<vmem>>) semaphore(%arg17 : memref<!tpu.dma_semaphore, #tpu.memory_space<semaphore_mem>>)
    %dma_wait3A_222 = arith.constant 0 : i32
    %dma_wait3A_223 = tpu.memref_slice %arg13[%dma_wait3A_222] : memref<1000000xf32, #tpu.memory_space<vmem_shared>> -> memref<1000000xf32, #tpu.memory_space<vmem_shared>>
    tpu.wait_indirect_dma semaphore(%arg17 : memref<!tpu.dma_semaphore, #tpu.memory_space<semaphore_mem>>) src(%dma_wait3A_223 : memref<1000000xf32, #tpu.memory_space<vmem_shared>>) dst(%arg10 : memref<6400xf32, #tpu.memory_space<vmem>>)
    %add3A_224 = arith.constant 819200 : i32
    %add3A_225 = arith.addi %add3A_224, %mul3A_2 : i32
    %add3A_226 = arith.constant 6400 : i32
    %add3A_227 = arith.addi %add3A_225, %add3A_226 : i32
    %dma_start3A_228 = tpu.memref_slice %arg6[%add3A_227] : memref<2457600xf32, #tpu.memory_space<hbm>> -> memref<6400xf32, #tpu.memory_space<hbm>>
    %dma_start3A_229 = tpu.memref_slice %arg6[%add3A_227] : memref<2457600xf32, #tpu.memory_space<hbm>> -> memref<6400xf32, #tpu.memory_space<hbm>>
    tpu.enqueue_dma source(%arg10 : memref<6400xf32, #tpu.memory_space<vmem>>) target(%dma_start3A_229 : memref<6400xf32, #tpu.memory_space<hbm>>) target_semaphore(%arg18 : memref<!tpu.dma_semaphore, #tpu.memory_space<semaphore_mem>>)
    %add3A_230 = arith.constant 819200 : i32
    %add3A_231 = arith.addi %add3A_230, %mul3A_2 : i32
    %add3A_232 = arith.constant 19200 : i32
    %add3A_233 = arith.addi %add3A_231, %add3A_232 : i32
    %dma_start3A_234 = tpu.memref_slice %arg2[%add3A_233] : memref<2457600xi32, #tpu.memory_space<hbm>> -> memref<6400xi32, #tpu.memory_space<hbm>>
    %dma_start3A_235 = tpu.memref_slice %arg2[%add3A_233] : memref<2457600xi32, #tpu.memory_space<hbm>> -> memref<6400xi32, #tpu.memory_space<hbm>>
    tpu.enqueue_dma source(%dma_start3A_235 : memref<6400xi32, #tpu.memory_space<hbm>>) target(%arg8 : memref<6400xi32, #tpu.memory_space<vmem>>) target_semaphore(%arg16 : memref<!tpu.dma_semaphore, #tpu.memory_space<semaphore_mem>>)
    %dma_wait3A_236 = tpu.memref_slice %arg2[%add3A_233] : memref<2457600xi32, #tpu.memory_space<hbm>> -> memref<6400xi32, #tpu.memory_space<hbm>>
    %dma_wait3A_237 = tpu.memref_slice %arg2[%add3A_233] : memref<2457600xi32, #tpu.memory_space<hbm>> -> memref<6400xi32, #tpu.memory_space<hbm>>
    tpu.wait_dma2 semaphore(%arg16 : memref<!tpu.dma_semaphore, #tpu.memory_space<semaphore_mem>>) src(%dma_wait3A_237 : memref<6400xi32, #tpu.memory_space<hbm>>) dst(%arg8 : memref<6400xi32, #tpu.memory_space<vmem>>)
    %dma_wait3A_238 = tpu.memref_slice %arg6[%add3A_227] : memref<2457600xf32, #tpu.memory_space<hbm>> -> memref<6400xf32, #tpu.memory_space<hbm>>
    %dma_wait3A_239 = tpu.memref_slice %arg6[%add3A_227] : memref<2457600xf32, #tpu.memory_space<hbm>> -> memref<6400xf32, #tpu.memory_space<hbm>>
    tpu.wait_dma2 semaphore(%arg18 : memref<!tpu.dma_semaphore, #tpu.memory_space<semaphore_mem>>) src(%arg10 : memref<6400xf32, #tpu.memory_space<vmem>>) dst(%dma_wait3A_239 : memref<6400xf32, #tpu.memory_space<hbm>>)
    %dma_start3A_240 = arith.constant 0 : i32
    %dma_start3A_241 = tpu.memref_slice %arg13[%dma_start3A_240] : memref<1000000xf32, #tpu.memory_space<vmem_shared>> -> memref<1000000xf32, #tpu.memory_space<vmem_shared>>
    tpu.enqueue_indirect_dma source(%dma_start3A_241 : memref<1000000xf32, #tpu.memory_space<vmem_shared>>) target(%arg10 : memref<6400xf32, #tpu.memory_space<vmem>>) offsets(%arg8 : memref<6400xi32, #tpu.memory_space<vmem>>) semaphore(%arg17 : memref<!tpu.dma_semaphore, #tpu.memory_space<semaphore_mem>>)
    %dma_wait3A_242 = arith.constant 0 : i32
    %dma_wait3A_243 = tpu.memref_slice %arg13[%dma_wait3A_242] : memref<1000000xf32, #tpu.memory_space<vmem_shared>> -> memref<1000000xf32, #tpu.memory_space<vmem_shared>>
    tpu.wait_indirect_dma semaphore(%arg17 : memref<!tpu.dma_semaphore, #tpu.memory_space<semaphore_mem>>) src(%dma_wait3A_243 : memref<1000000xf32, #tpu.memory_space<vmem_shared>>) dst(%arg9 : memref<6400xf32, #tpu.memory_space<vmem>>)
    %add3A_244 = arith.constant 819200 : i32
    %add3A_245 = arith.addi %add3A_244, %mul3A_2 : i32
    %add3A_246 = arith.constant 12800 : i32
    %add3A_247 = arith.addi %add3A_245, %add3A_246 : i32
    %dma_start3A_248 = tpu.memref_slice %arg6[%add3A_247] : memref<2457600xf32, #tpu.memory_space<hbm>> -> memref<6400xf32, #tpu.memory_space<hbm>>
    %dma_start3A_249 = tpu.memref_slice %arg6[%add3A_247] : memref<2457600xf32, #tpu.memory_space<hbm>> -> memref<6400xf32, #tpu.memory_space<hbm>>
    tpu.enqueue_dma source(%arg9 : memref<6400xf32, #tpu.memory_space<vmem>>) target(%dma_start3A_249 : memref<6400xf32, #tpu.memory_space<hbm>>) target_semaphore(%arg18 : memref<!tpu.dma_semaphore, #tpu.memory_space<semaphore_mem>>)
    %add3A_250 = arith.constant 1638400 : i32
    %add3A_251 = arith.addi %add3A_250, %mul3A_2 : i32
    %add3A_252 = arith.constant 0 : i32
    %add3A_253 = arith.addi %add3A_251, %add3A_252 : i32
    %dma_start3A_254 = tpu.memref_slice %arg2[%add3A_253] : memref<2457600xi32, #tpu.memory_space<hbm>> -> memref<6400xi32, #tpu.memory_space<hbm>>
    %dma_start3A_255 = tpu.memref_slice %arg2[%add3A_253] : memref<2457600xi32, #tpu.memory_space<hbm>> -> memref<6400xi32, #tpu.memory_space<hbm>>
    tpu.enqueue_dma source(%dma_start3A_255 : memref<6400xi32, #tpu.memory_space<hbm>>) target(%arg7 : memref<6400xi32, #tpu.memory_space<vmem>>) target_semaphore(%arg16 : memref<!tpu.dma_semaphore, #tpu.memory_space<semaphore_mem>>)
    %dma_wait3A_256 = arith.constant 0 : i32
    %dma_wait3A_257 = tpu.memref_slice %arg13[%dma_wait3A_256] : memref<1000000xf32, #tpu.memory_space<vmem_shared>> -> memref<1000000xf32, #tpu.memory_space<vmem_shared>>
    tpu.wait_indirect_dma semaphore(%arg17 : memref<!tpu.dma_semaphore, #tpu.memory_space<semaphore_mem>>) src(%dma_wait3A_257 : memref<1000000xf32, #tpu.memory_space<vmem_shared>>) dst(%arg10 : memref<6400xf32, #tpu.memory_space<vmem>>)
    %add3A_258 = arith.constant 819200 : i32
    %add3A_259 = arith.addi %add3A_258, %mul3A_2 : i32
    %add3A_260 = arith.constant 19200 : i32
    %add3A_261 = arith.addi %add3A_259, %add3A_260 : i32
    %dma_start3A_262 = tpu.memref_slice %arg6[%add3A_261] : memref<2457600xf32, #tpu.memory_space<hbm>> -> memref<6400xf32, #tpu.memory_space<hbm>>
    %dma_start3A_263 = tpu.memref_slice %arg6[%add3A_261] : memref<2457600xf32, #tpu.memory_space<hbm>> -> memref<6400xf32, #tpu.memory_space<hbm>>
    tpu.enqueue_dma source(%arg10 : memref<6400xf32, #tpu.memory_space<vmem>>) target(%dma_start3A_263 : memref<6400xf32, #tpu.memory_space<hbm>>) target_semaphore(%arg18 : memref<!tpu.dma_semaphore, #tpu.memory_space<semaphore_mem>>)
    %barrier3A_264 = arith.constant 0 : index
    tpu.barrier barrier_id(%barrier3A_264)
    %add3A_265 = arith.constant 0 : i32
    %add3A_266 = arith.addi %min3A_5, %add3A_265 : i32
    %dma_start3A_267 = tpu.memref_slice %arg5[%add3A_266] : memref<1000000xf32, #tpu.memory_space<hbm>> -> memref<15640xf32, #tpu.memory_space<hbm>>
    %dma_start3A_268 = tpu.memref_slice %arg5[%add3A_266] : memref<1000000xf32, #tpu.memory_space<hbm>> -> memref<15640xf32, #tpu.memory_space<hbm>>
    tpu.enqueue_dma source(%dma_start3A_268 : memref<15640xf32, #tpu.memory_space<hbm>>) target(%arg11 : memref<15640xf32, #tpu.memory_space<vmem>>) target_semaphore(%arg14 : memref<!tpu.dma_semaphore, #tpu.memory_space<semaphore_mem>>)
    %add3A_269 = arith.constant 15640 : i32
    %add3A_270 = arith.addi %min3A_5, %add3A_269 : i32
    %dma_start3A_271 = tpu.memref_slice %arg5[%add3A_270] : memref<1000000xf32, #tpu.memory_space<hbm>> -> memref<15640xf32, #tpu.memory_space<hbm>>
    %dma_start3A_272 = tpu.memref_slice %arg5[%add3A_270] : memref<1000000xf32, #tpu.memory_space<hbm>> -> memref<15640xf32, #tpu.memory_space<hbm>>
    tpu.enqueue_dma source(%dma_start3A_272 : memref<15640xf32, #tpu.memory_space<hbm>>) target(%arg12 : memref<15640xf32, #tpu.memory_space<vmem>>) target_semaphore(%arg14 : memref<!tpu.dma_semaphore, #tpu.memory_space<semaphore_mem>>)
    %dma_wait3A_273 = tpu.memref_slice %arg5[%add3A_266] : memref<1000000xf32, #tpu.memory_space<hbm>> -> memref<15640xf32, #tpu.memory_space<hbm>>
    %dma_wait3A_274 = tpu.memref_slice %arg5[%add3A_266] : memref<1000000xf32, #tpu.memory_space<hbm>> -> memref<15640xf32, #tpu.memory_space<hbm>>
    tpu.wait_dma2 semaphore(%arg14 : memref<!tpu.dma_semaphore, #tpu.memory_space<semaphore_mem>>) src(%dma_wait3A_274 : memref<15640xf32, #tpu.memory_space<hbm>>) dst(%arg11 : memref<15640xf32, #tpu.memory_space<vmem>>)
    %add3A_275 = arith.constant 0 : i32
    %add3A_276 = arith.addi %min3A_5, %add3A_275 : i32
    %dma_start3A_277 = tpu.memref_slice %arg13[%add3A_276] : memref<1000000xf32, #tpu.memory_space<vmem_shared>> -> memref<15640xf32, #tpu.memory_space<vmem_shared>>
    %dma_start3A_278 = tpu.memref_slice %arg13[%add3A_276] : memref<1000000xf32, #tpu.memory_space<vmem_shared>> -> memref<15640xf32, #tpu.memory_space<vmem_shared>>
    tpu.enqueue_dma source(%arg11 : memref<15640xf32, #tpu.memory_space<vmem>>) target(%dma_start3A_278 : memref<15640xf32, #tpu.memory_space<vmem_shared>>) target_semaphore(%arg15 : memref<!tpu.dma_semaphore, #tpu.memory_space<semaphore_mem>>)
    %dma_wait3A_279 = tpu.memref_slice %arg13[%add3A_276] : memref<1000000xf32, #tpu.memory_space<vmem_shared>> -> memref<15640xf32, #tpu.memory_space<vmem_shared>>
    %dma_wait3A_280 = tpu.memref_slice %arg13[%add3A_276] : memref<1000000xf32, #tpu.memory_space<vmem_shared>> -> memref<15640xf32, #tpu.memory_space<vmem_shared>>
    tpu.wait_dma2 semaphore(%arg15 : memref<!tpu.dma_semaphore, #tpu.memory_space<semaphore_mem>>) src(%arg11 : memref<15640xf32, #tpu.memory_space<vmem>>) dst(%dma_wait3A_280 : memref<15640xf32, #tpu.memory_space<vmem_shared>>)
    %add3A_281 = arith.constant 31280 : i32
    %add3A_282 = arith.addi %min3A_5, %add3A_281 : i32
    %dma_start3A_283 = tpu.memref_slice %arg5[%add3A_282] : memref<1000000xf32, #tpu.memory_space<hbm>> -> memref<15640xf32, #tpu.memory_space<hbm>>
    %dma_start3A_284 = tpu.memref_slice %arg5[%add3A_282] : memref<1000000xf32, #tpu.memory_space<hbm>> -> memref<15640xf32, #tpu.memory_space<hbm>>
    tpu.enqueue_dma source(%dma_start3A_284 : memref<15640xf32, #tpu.memory_space<hbm>>) target(%arg11 : memref<15640xf32, #tpu.memory_space<vmem>>) target_semaphore(%arg14 : memref<!tpu.dma_semaphore, #tpu.memory_space<semaphore_mem>>)
    %dma_wait3A_285 = tpu.memref_slice %arg5[%add3A_270] : memref<1000000xf32, #tpu.memory_space<hbm>> -> memref<15640xf32, #tpu.memory_space<hbm>>
    %dma_wait3A_286 = tpu.memref_slice %arg5[%add3A_270] : memref<1000000xf32, #tpu.memory_space<hbm>> -> memref<15640xf32, #tpu.memory_space<hbm>>
    tpu.wait_dma2 semaphore(%arg14 : memref<!tpu.dma_semaphore, #tpu.memory_space<semaphore_mem>>) src(%dma_wait3A_286 : memref<15640xf32, #tpu.memory_space<hbm>>) dst(%arg12 : memref<15640xf32, #tpu.memory_space<vmem>>)
    %add3A_287 = arith.constant 15640 : i32
    %add3A_288 = arith.addi %min3A_5, %add3A_287 : i32
    %dma_start3A_289 = tpu.memref_slice %arg13[%add3A_288] : memref<1000000xf32, #tpu.memory_space<vmem_shared>> -> memref<15640xf32, #tpu.memory_space<vmem_shared>>
    %dma_start3A_290 = tpu.memref_slice %arg13[%add3A_288] : memref<1000000xf32, #tpu.memory_space<vmem_shared>> -> memref<15640xf32, #tpu.memory_space<vmem_shared>>
    tpu.enqueue_dma source(%arg12 : memref<15640xf32, #tpu.memory_space<vmem>>) target(%dma_start3A_290 : memref<15640xf32, #tpu.memory_space<vmem_shared>>) target_semaphore(%arg15 : memref<!tpu.dma_semaphore, #tpu.memory_space<semaphore_mem>>)
    %dma_wait3A_291 = tpu.memref_slice %arg13[%add3A_288] : memref<1000000xf32, #tpu.memory_space<vmem_shared>> -> memref<15640xf32, #tpu.memory_space<vmem_shared>>
    %dma_wait3A_292 = tpu.memref_slice %arg13[%add3A_288] : memref<1000000xf32, #tpu.memory_space<vmem_shared>> -> memref<15640xf32, #tpu.memory_space<vmem_shared>>
    tpu.wait_dma2 semaphore(%arg15 : memref<!tpu.dma_semaphore, #tpu.memory_space<semaphore_mem>>) src(%arg12 : memref<15640xf32, #tpu.memory_space<vmem>>) dst(%dma_wait3A_292 : memref<15640xf32, #tpu.memory_space<vmem_shared>>)
    %add3A_293 = arith.constant 46920 : i32
    %add3A_294 = arith.addi %min3A_5, %add3A_293 : i32
    %dma_start3A_295 = tpu.memref_slice %arg5[%add3A_294] : memref<1000000xf32, #tpu.memory_space<hbm>> -> memref<15640xf32, #tpu.memory_space<hbm>>
    %dma_start3A_296 = tpu.memref_slice %arg5[%add3A_294] : memref<1000000xf32, #tpu.memory_space<hbm>> -> memref<15640xf32, #tpu.memory_space<hbm>>
    tpu.enqueue_dma source(%dma_start3A_296 : memref<15640xf32, #tpu.memory_space<hbm>>) target(%arg12 : memref<15640xf32, #tpu.memory_space<vmem>>) target_semaphore(%arg14 : memref<!tpu.dma_semaphore, #tpu.memory_space<semaphore_mem>>)
    %dma_wait3A_297 = tpu.memref_slice %arg5[%add3A_282] : memref<1000000xf32, #tpu.memory_space<hbm>> -> memref<15640xf32, #tpu.memory_space<hbm>>
    %dma_wait3A_298 = tpu.memref_slice %arg5[%add3A_282] : memref<1000000xf32, #tpu.memory_space<hbm>> -> memref<15640xf32, #tpu.memory_space<hbm>>
    tpu.wait_dma2 semaphore(%arg14 : memref<!tpu.dma_semaphore, #tpu.memory_space<semaphore_mem>>) src(%dma_wait3A_298 : memref<15640xf32, #tpu.memory_space<hbm>>) dst(%arg11 : memref<15640xf32, #tpu.memory_space<vmem>>)
    %add3A_299 = arith.constant 31280 : i32
    %add3A_300 = arith.addi %min3A_5, %add3A_299 : i32
    %dma_start3A_301 = tpu.memref_slice %arg13[%add3A_300] : memref<1000000xf32, #tpu.memory_space<vmem_shared>> -> memref<15640xf32, #tpu.memory_space<vmem_shared>>
    %dma_start3A_302 = tpu.memref_slice %arg13[%add3A_300] : memref<1000000xf32, #tpu.memory_space<vmem_shared>> -> memref<15640xf32, #tpu.memory_space<vmem_shared>>
    tpu.enqueue_dma source(%arg11 : memref<15640xf32, #tpu.memory_space<vmem>>) target(%dma_start3A_302 : memref<15640xf32, #tpu.memory_space<vmem_shared>>) target_semaphore(%arg15 : memref<!tpu.dma_semaphore, #tpu.memory_space<semaphore_mem>>)
    %dma_wait3A_303 = tpu.memref_slice %arg5[%add3A_294] : memref<1000000xf32, #tpu.memory_space<hbm>> -> memref<15640xf32, #tpu.memory_space<hbm>>
    %dma_wait3A_304 = tpu.memref_slice %arg5[%add3A_294] : memref<1000000xf32, #tpu.memory_space<hbm>> -> memref<15640xf32, #tpu.memory_space<hbm>>
    tpu.wait_dma2 semaphore(%arg14 : memref<!tpu.dma_semaphore, #tpu.memory_space<semaphore_mem>>) src(%dma_wait3A_304 : memref<15640xf32, #tpu.memory_space<hbm>>) dst(%arg12 : memref<15640xf32, #tpu.memory_space<vmem>>)
    %add3A_305 = arith.constant 46920 : i32
    %add3A_306 = arith.addi %min3A_5, %add3A_305 : i32
    %dma_start3A_307 = tpu.memref_slice %arg13[%add3A_306] : memref<1000000xf32, #tpu.memory_space<vmem_shared>> -> memref<15640xf32, #tpu.memory_space<vmem_shared>>
    %dma_start3A_308 = tpu.memref_slice %arg13[%add3A_306] : memref<1000000xf32, #tpu.memory_space<vmem_shared>> -> memref<15640xf32, #tpu.memory_space<vmem_shared>>
    tpu.enqueue_dma source(%arg12 : memref<15640xf32, #tpu.memory_space<vmem>>) target(%dma_start3A_308 : memref<15640xf32, #tpu.memory_space<vmem_shared>>) target_semaphore(%arg15 : memref<!tpu.dma_semaphore, #tpu.memory_space<semaphore_mem>>)
    %dma_wait3A_309 = tpu.memref_slice %arg13[%add3A_300] : memref<1000000xf32, #tpu.memory_space<vmem_shared>> -> memref<15640xf32, #tpu.memory_space<vmem_shared>>
    %dma_wait3A_310 = tpu.memref_slice %arg13[%add3A_300] : memref<1000000xf32, #tpu.memory_space<vmem_shared>> -> memref<15640xf32, #tpu.memory_space<vmem_shared>>
    tpu.wait_dma2 semaphore(%arg15 : memref<!tpu.dma_semaphore, #tpu.memory_space<semaphore_mem>>) src(%arg11 : memref<15640xf32, #tpu.memory_space<vmem>>) dst(%dma_wait3A_310 : memref<15640xf32, #tpu.memory_space<vmem_shared>>)
    %dma_wait3A_311 = tpu.memref_slice %arg13[%add3A_306] : memref<1000000xf32, #tpu.memory_space<vmem_shared>> -> memref<15640xf32, #tpu.memory_space<vmem_shared>>
    %dma_wait3A_312 = tpu.memref_slice %arg13[%add3A_306] : memref<1000000xf32, #tpu.memory_space<vmem_shared>> -> memref<15640xf32, #tpu.memory_space<vmem_shared>>
    tpu.wait_dma2 semaphore(%arg15 : memref<!tpu.dma_semaphore, #tpu.memory_space<semaphore_mem>>) src(%arg12 : memref<15640xf32, #tpu.memory_space<vmem>>) dst(%dma_wait3A_312 : memref<15640xf32, #tpu.memory_space<vmem_shared>>)
    %barrier3A_313 = arith.constant 0 : index
    tpu.barrier barrier_id(%barrier3A_313)
    %dma_wait3A_314 = tpu.memref_slice %arg2[%add3A_253] : memref<2457600xi32, #tpu.memory_space<hbm>> -> memref<6400xi32, #tpu.memory_space<hbm>>
    %dma_wait3A_315 = tpu.memref_slice %arg2[%add3A_253] : memref<2457600xi32, #tpu.memory_space<hbm>> -> memref<6400xi32, #tpu.memory_space<hbm>>
    tpu.wait_dma2 semaphore(%arg16 : memref<!tpu.dma_semaphore, #tpu.memory_space<semaphore_mem>>) src(%dma_wait3A_315 : memref<6400xi32, #tpu.memory_space<hbm>>) dst(%arg7 : memref<6400xi32, #tpu.memory_space<vmem>>)
    %dma_wait3A_316 = tpu.memref_slice %arg6[%add3A_247] : memref<2457600xf32, #tpu.memory_space<hbm>> -> memref<6400xf32, #tpu.memory_space<hbm>>
    %dma_wait3A_317 = tpu.memref_slice %arg6[%add3A_247] : memref<2457600xf32, #tpu.memory_space<hbm>> -> memref<6400xf32, #tpu.memory_space<hbm>>
    tpu.wait_dma2 semaphore(%arg18 : memref<!tpu.dma_semaphore, #tpu.memory_space<semaphore_mem>>) src(%arg9 : memref<6400xf32, #tpu.memory_space<vmem>>) dst(%dma_wait3A_317 : memref<6400xf32, #tpu.memory_space<hbm>>)
    %dma_start3A_318 = arith.constant 0 : i32
    %dma_start3A_319 = tpu.memref_slice %arg13[%dma_start3A_318] : memref<1000000xf32, #tpu.memory_space<vmem_shared>> -> memref<1000000xf32, #tpu.memory_space<vmem_shared>>
    tpu.enqueue_indirect_dma source(%dma_start3A_319 : memref<1000000xf32, #tpu.memory_space<vmem_shared>>) target(%arg9 : memref<6400xf32, #tpu.memory_space<vmem>>) offsets(%arg7 : memref<6400xi32, #tpu.memory_space<vmem>>) semaphore(%arg17 : memref<!tpu.dma_semaphore, #tpu.memory_space<semaphore_mem>>)
    %add3A_320 = arith.constant 1638400 : i32
    %add3A_321 = arith.addi %add3A_320, %mul3A_2 : i32
    %add3A_322 = arith.constant 6400 : i32
    %add3A_323 = arith.addi %add3A_321, %add3A_322 : i32
    %dma_start3A_324 = tpu.memref_slice %arg2[%add3A_323] : memref<2457600xi32, #tpu.memory_space<hbm>> -> memref<6400xi32, #tpu.memory_space<hbm>>
    %dma_start3A_325 = tpu.memref_slice %arg2[%add3A_323] : memref<2457600xi32, #tpu.memory_space<hbm>> -> memref<6400xi32, #tpu.memory_space<hbm>>
    tpu.enqueue_dma source(%dma_start3A_325 : memref<6400xi32, #tpu.memory_space<hbm>>) target(%arg8 : memref<6400xi32, #tpu.memory_space<vmem>>) target_semaphore(%arg16 : memref<!tpu.dma_semaphore, #tpu.memory_space<semaphore_mem>>)
    %dma_wait3A_326 = tpu.memref_slice %arg2[%add3A_323] : memref<2457600xi32, #tpu.memory_space<hbm>> -> memref<6400xi32, #tpu.memory_space<hbm>>
    %dma_wait3A_327 = tpu.memref_slice %arg2[%add3A_323] : memref<2457600xi32, #tpu.memory_space<hbm>> -> memref<6400xi32, #tpu.memory_space<hbm>>
    tpu.wait_dma2 semaphore(%arg16 : memref<!tpu.dma_semaphore, #tpu.memory_space<semaphore_mem>>) src(%dma_wait3A_327 : memref<6400xi32, #tpu.memory_space<hbm>>) dst(%arg8 : memref<6400xi32, #tpu.memory_space<vmem>>)
    %dma_wait3A_328 = tpu.memref_slice %arg6[%add3A_261] : memref<2457600xf32, #tpu.memory_space<hbm>> -> memref<6400xf32, #tpu.memory_space<hbm>>
    %dma_wait3A_329 = tpu.memref_slice %arg6[%add3A_261] : memref<2457600xf32, #tpu.memory_space<hbm>> -> memref<6400xf32, #tpu.memory_space<hbm>>
    tpu.wait_dma2 semaphore(%arg18 : memref<!tpu.dma_semaphore, #tpu.memory_space<semaphore_mem>>) src(%arg10 : memref<6400xf32, #tpu.memory_space<vmem>>) dst(%dma_wait3A_329 : memref<6400xf32, #tpu.memory_space<hbm>>)
    %dma_start3A_330 = arith.constant 0 : i32
    %dma_start3A_331 = tpu.memref_slice %arg13[%dma_start3A_330] : memref<1000000xf32, #tpu.memory_space<vmem_shared>> -> memref<1000000xf32, #tpu.memory_space<vmem_shared>>
    tpu.enqueue_indirect_dma source(%dma_start3A_331 : memref<1000000xf32, #tpu.memory_space<vmem_shared>>) target(%arg10 : memref<6400xf32, #tpu.memory_space<vmem>>) offsets(%arg8 : memref<6400xi32, #tpu.memory_space<vmem>>) semaphore(%arg17 : memref<!tpu.dma_semaphore, #tpu.memory_space<semaphore_mem>>)
    %dma_wait3A_332 = arith.constant 0 : i32
    %dma_wait3A_333 = tpu.memref_slice %arg13[%dma_wait3A_332] : memref<1000000xf32, #tpu.memory_space<vmem_shared>> -> memref<1000000xf32, #tpu.memory_space<vmem_shared>>
    tpu.wait_indirect_dma semaphore(%arg17 : memref<!tpu.dma_semaphore, #tpu.memory_space<semaphore_mem>>) src(%dma_wait3A_333 : memref<1000000xf32, #tpu.memory_space<vmem_shared>>) dst(%arg9 : memref<6400xf32, #tpu.memory_space<vmem>>)
    %add3A_334 = arith.constant 1638400 : i32
    %add3A_335 = arith.addi %add3A_334, %mul3A_2 : i32
    %add3A_336 = arith.constant 0 : i32
    %add3A_337 = arith.addi %add3A_335, %add3A_336 : i32
    %dma_start3A_338 = tpu.memref_slice %arg6[%add3A_337] : memref<2457600xf32, #tpu.memory_space<hbm>> -> memref<6400xf32, #tpu.memory_space<hbm>>
    %dma_start3A_339 = tpu.memref_slice %arg6[%add3A_337] : memref<2457600xf32, #tpu.memory_space<hbm>> -> memref<6400xf32, #tpu.memory_space<hbm>>
    tpu.enqueue_dma source(%arg9 : memref<6400xf32, #tpu.memory_space<vmem>>) target(%dma_start3A_339 : memref<6400xf32, #tpu.memory_space<hbm>>) target_semaphore(%arg18 : memref<!tpu.dma_semaphore, #tpu.memory_space<semaphore_mem>>)
    %add3A_340 = arith.constant 1638400 : i32
    %add3A_341 = arith.addi %add3A_340, %mul3A_2 : i32
    %add3A_342 = arith.constant 12800 : i32
    %add3A_343 = arith.addi %add3A_341, %add3A_342 : i32
    %dma_start3A_344 = tpu.memref_slice %arg2[%add3A_343] : memref<2457600xi32, #tpu.memory_space<hbm>> -> memref<6400xi32, #tpu.memory_space<hbm>>
    %dma_start3A_345 = tpu.memref_slice %arg2[%add3A_343] : memref<2457600xi32, #tpu.memory_space<hbm>> -> memref<6400xi32, #tpu.memory_space<hbm>>
    tpu.enqueue_dma source(%dma_start3A_345 : memref<6400xi32, #tpu.memory_space<hbm>>) target(%arg7 : memref<6400xi32, #tpu.memory_space<vmem>>) target_semaphore(%arg16 : memref<!tpu.dma_semaphore, #tpu.memory_space<semaphore_mem>>)
    %dma_wait3A_346 = tpu.memref_slice %arg2[%add3A_343] : memref<2457600xi32, #tpu.memory_space<hbm>> -> memref<6400xi32, #tpu.memory_space<hbm>>
    %dma_wait3A_347 = tpu.memref_slice %arg2[%add3A_343] : memref<2457600xi32, #tpu.memory_space<hbm>> -> memref<6400xi32, #tpu.memory_space<hbm>>
    tpu.wait_dma2 semaphore(%arg16 : memref<!tpu.dma_semaphore, #tpu.memory_space<semaphore_mem>>) src(%dma_wait3A_347 : memref<6400xi32, #tpu.memory_space<hbm>>) dst(%arg7 : memref<6400xi32, #tpu.memory_space<vmem>>)
    %dma_wait3A_348 = tpu.memref_slice %arg6[%add3A_337] : memref<2457600xf32, #tpu.memory_space<hbm>> -> memref<6400xf32, #tpu.memory_space<hbm>>
    %dma_wait3A_349 = tpu.memref_slice %arg6[%add3A_337] : memref<2457600xf32, #tpu.memory_space<hbm>> -> memref<6400xf32, #tpu.memory_space<hbm>>
    tpu.wait_dma2 semaphore(%arg18 : memref<!tpu.dma_semaphore, #tpu.memory_space<semaphore_mem>>) src(%arg9 : memref<6400xf32, #tpu.memory_space<vmem>>) dst(%dma_wait3A_349 : memref<6400xf32, #tpu.memory_space<hbm>>)
    %dma_start3A_350 = arith.constant 0 : i32
    %dma_start3A_351 = tpu.memref_slice %arg13[%dma_start3A_350] : memref<1000000xf32, #tpu.memory_space<vmem_shared>> -> memref<1000000xf32, #tpu.memory_space<vmem_shared>>
    tpu.enqueue_indirect_dma source(%dma_start3A_351 : memref<1000000xf32, #tpu.memory_space<vmem_shared>>) target(%arg9 : memref<6400xf32, #tpu.memory_space<vmem>>) offsets(%arg7 : memref<6400xi32, #tpu.memory_space<vmem>>) semaphore(%arg17 : memref<!tpu.dma_semaphore, #tpu.memory_space<semaphore_mem>>)
    %dma_wait3A_352 = arith.constant 0 : i32
    %dma_wait3A_353 = tpu.memref_slice %arg13[%dma_wait3A_352] : memref<1000000xf32, #tpu.memory_space<vmem_shared>> -> memref<1000000xf32, #tpu.memory_space<vmem_shared>>
    tpu.wait_indirect_dma semaphore(%arg17 : memref<!tpu.dma_semaphore, #tpu.memory_space<semaphore_mem>>) src(%dma_wait3A_353 : memref<1000000xf32, #tpu.memory_space<vmem_shared>>) dst(%arg10 : memref<6400xf32, #tpu.memory_space<vmem>>)
    %add3A_354 = arith.constant 1638400 : i32
    %add3A_355 = arith.addi %add3A_354, %mul3A_2 : i32
    %add3A_356 = arith.constant 6400 : i32
    %add3A_357 = arith.addi %add3A_355, %add3A_356 : i32
    %dma_start3A_358 = tpu.memref_slice %arg6[%add3A_357] : memref<2457600xf32, #tpu.memory_space<hbm>> -> memref<6400xf32, #tpu.memory_space<hbm>>
    %dma_start3A_359 = tpu.memref_slice %arg6[%add3A_357] : memref<2457600xf32, #tpu.memory_space<hbm>> -> memref<6400xf32, #tpu.memory_space<hbm>>
    tpu.enqueue_dma source(%arg10 : memref<6400xf32, #tpu.memory_space<vmem>>) target(%dma_start3A_359 : memref<6400xf32, #tpu.memory_space<hbm>>) target_semaphore(%arg18 : memref<!tpu.dma_semaphore, #tpu.memory_space<semaphore_mem>>)
    %add3A_360 = arith.constant 1638400 : i32
    %add3A_361 = arith.addi %add3A_360, %mul3A_2 : i32
    %add3A_362 = arith.constant 19200 : i32
    %add3A_363 = arith.addi %add3A_361, %add3A_362 : i32
    %dma_start3A_364 = tpu.memref_slice %arg2[%add3A_363] : memref<2457600xi32, #tpu.memory_space<hbm>> -> memref<6400xi32, #tpu.memory_space<hbm>>
    %dma_start3A_365 = tpu.memref_slice %arg2[%add3A_363] : memref<2457600xi32, #tpu.memory_space<hbm>> -> memref<6400xi32, #tpu.memory_space<hbm>>
    tpu.enqueue_dma source(%dma_start3A_365 : memref<6400xi32, #tpu.memory_space<hbm>>) target(%arg8 : memref<6400xi32, #tpu.memory_space<vmem>>) target_semaphore(%arg16 : memref<!tpu.dma_semaphore, #tpu.memory_space<semaphore_mem>>)
    %dma_wait3A_366 = tpu.memref_slice %arg2[%add3A_363] : memref<2457600xi32, #tpu.memory_space<hbm>> -> memref<6400xi32, #tpu.memory_space<hbm>>
    %dma_wait3A_367 = tpu.memref_slice %arg2[%add3A_363] : memref<2457600xi32, #tpu.memory_space<hbm>> -> memref<6400xi32, #tpu.memory_space<hbm>>
    tpu.wait_dma2 semaphore(%arg16 : memref<!tpu.dma_semaphore, #tpu.memory_space<semaphore_mem>>) src(%dma_wait3A_367 : memref<6400xi32, #tpu.memory_space<hbm>>) dst(%arg8 : memref<6400xi32, #tpu.memory_space<vmem>>)
    %dma_wait3A_368 = tpu.memref_slice %arg6[%add3A_357] : memref<2457600xf32, #tpu.memory_space<hbm>> -> memref<6400xf32, #tpu.memory_space<hbm>>
    %dma_wait3A_369 = tpu.memref_slice %arg6[%add3A_357] : memref<2457600xf32, #tpu.memory_space<hbm>> -> memref<6400xf32, #tpu.memory_space<hbm>>
    tpu.wait_dma2 semaphore(%arg18 : memref<!tpu.dma_semaphore, #tpu.memory_space<semaphore_mem>>) src(%arg10 : memref<6400xf32, #tpu.memory_space<vmem>>) dst(%dma_wait3A_369 : memref<6400xf32, #tpu.memory_space<hbm>>)
    %dma_start3A_370 = arith.constant 0 : i32
    %dma_start3A_371 = tpu.memref_slice %arg13[%dma_start3A_370] : memref<1000000xf32, #tpu.memory_space<vmem_shared>> -> memref<1000000xf32, #tpu.memory_space<vmem_shared>>
    tpu.enqueue_indirect_dma source(%dma_start3A_371 : memref<1000000xf32, #tpu.memory_space<vmem_shared>>) target(%arg10 : memref<6400xf32, #tpu.memory_space<vmem>>) offsets(%arg8 : memref<6400xi32, #tpu.memory_space<vmem>>) semaphore(%arg17 : memref<!tpu.dma_semaphore, #tpu.memory_space<semaphore_mem>>)
    %dma_wait3A_372 = arith.constant 0 : i32
    %dma_wait3A_373 = tpu.memref_slice %arg13[%dma_wait3A_372] : memref<1000000xf32, #tpu.memory_space<vmem_shared>> -> memref<1000000xf32, #tpu.memory_space<vmem_shared>>
    tpu.wait_indirect_dma semaphore(%arg17 : memref<!tpu.dma_semaphore, #tpu.memory_space<semaphore_mem>>) src(%dma_wait3A_373 : memref<1000000xf32, #tpu.memory_space<vmem_shared>>) dst(%arg9 : memref<6400xf32, #tpu.memory_space<vmem>>)
    %add3A_374 = arith.constant 1638400 : i32
    %add3A_375 = arith.addi %add3A_374, %mul3A_2 : i32
    %add3A_376 = arith.constant 12800 : i32
    %add3A_377 = arith.addi %add3A_375, %add3A_376 : i32
    %dma_start3A_378 = tpu.memref_slice %arg6[%add3A_377] : memref<2457600xf32, #tpu.memory_space<hbm>> -> memref<6400xf32, #tpu.memory_space<hbm>>
    %dma_start3A_379 = tpu.memref_slice %arg6[%add3A_377] : memref<2457600xf32, #tpu.memory_space<hbm>> -> memref<6400xf32, #tpu.memory_space<hbm>>
    tpu.enqueue_dma source(%arg9 : memref<6400xf32, #tpu.memory_space<vmem>>) target(%dma_start3A_379 : memref<6400xf32, #tpu.memory_space<hbm>>) target_semaphore(%arg18 : memref<!tpu.dma_semaphore, #tpu.memory_space<semaphore_mem>>)
    %dma_wait3A_380 = arith.constant 0 : i32
    %dma_wait3A_381 = tpu.memref_slice %arg13[%dma_wait3A_380] : memref<1000000xf32, #tpu.memory_space<vmem_shared>> -> memref<1000000xf32, #tpu.memory_space<vmem_shared>>
    tpu.wait_indirect_dma semaphore(%arg17 : memref<!tpu.dma_semaphore, #tpu.memory_space<semaphore_mem>>) src(%dma_wait3A_381 : memref<1000000xf32, #tpu.memory_space<vmem_shared>>) dst(%arg10 : memref<6400xf32, #tpu.memory_space<vmem>>)
    %add3A_382 = arith.constant 1638400 : i32
    %add3A_383 = arith.addi %add3A_382, %mul3A_2 : i32
    %add3A_384 = arith.constant 19200 : i32
    %add3A_385 = arith.addi %add3A_383, %add3A_384 : i32
    %dma_start3A_386 = tpu.memref_slice %arg6[%add3A_385] : memref<2457600xf32, #tpu.memory_space<hbm>> -> memref<6400xf32, #tpu.memory_space<hbm>>
    %dma_start3A_387 = tpu.memref_slice %arg6[%add3A_385] : memref<2457600xf32, #tpu.memory_space<hbm>> -> memref<6400xf32, #tpu.memory_space<hbm>>
    tpu.enqueue_dma source(%arg10 : memref<6400xf32, #tpu.memory_space<vmem>>) target(%dma_start3A_387 : memref<6400xf32, #tpu.memory_space<hbm>>) target_semaphore(%arg18 : memref<!tpu.dma_semaphore, #tpu.memory_space<semaphore_mem>>)
    %dma_wait3A_388 = tpu.memref_slice %arg6[%add3A_377] : memref<2457600xf32, #tpu.memory_space<hbm>> -> memref<6400xf32, #tpu.memory_space<hbm>>
    %dma_wait3A_389 = tpu.memref_slice %arg6[%add3A_377] : memref<2457600xf32, #tpu.memory_space<hbm>> -> memref<6400xf32, #tpu.memory_space<hbm>>
    tpu.wait_dma2 semaphore(%arg18 : memref<!tpu.dma_semaphore, #tpu.memory_space<semaphore_mem>>) src(%arg9 : memref<6400xf32, #tpu.memory_space<vmem>>) dst(%dma_wait3A_389 : memref<6400xf32, #tpu.memory_space<hbm>>)
    %dma_wait3A_390 = tpu.memref_slice %arg6[%add3A_385] : memref<2457600xf32, #tpu.memory_space<hbm>> -> memref<6400xf32, #tpu.memory_space<hbm>>
    %dma_wait3A_391 = tpu.memref_slice %arg6[%add3A_385] : memref<2457600xf32, #tpu.memory_space<hbm>> -> memref<6400xf32, #tpu.memory_space<hbm>>
    tpu.wait_dma2 semaphore(%arg18 : memref<!tpu.dma_semaphore, #tpu.memory_space<semaphore_mem>>) src(%arg10 : memref<6400xf32, #tpu.memory_space<vmem>>) dst(%dma_wait3A_391 : memref<6400xf32, #tpu.memory_space<hbm>>)
    return
  }
}

module attributes {stable_mosaic.version = 14 : i64} {
  func.func @_hash_body(%arg0: memref<6400x128xi32, #tpu.memory_space<vmem>>, %arg1: memref<3x6400x128xi32, #tpu.memory_space<vmem>>) attributes {dimension_semantics = [], scalar_prefetch = 0 : i64, scratch_operands = 0 : i64, tpu.core_type = #tpu.core_type<tc>} {
    %get3A = arith.constant 0 : index
    %get3A_0 = arith.constant 0 : index
    %get3A_1 = vector.load %arg0[%get3A, %get3A_0] : memref<6400x128xi32, #tpu.memory_space<vmem>>, vector<6400x128xi32>
    %broadcast_in_dim3A = arith.constant 0 : i32
    %broadcast_in_dim3A_2 = vector.broadcast %broadcast_in_dim3A : i32 to vector<1x128xi32>
    %slice3A = vector.extract_strided_slice %get3A_1 {offsets = [0, 0], sizes = [6399, 128], strides = [1, 1]} : vector<6400x128xi32> to vector<6399x128xi32>
    %concatenate3A = tpu.concatenate %broadcast_in_dim3A_2, %slice3A in 0 : vector<1x128xi32>, vector<6399x128xi32> -> vector<6400x128xi32>
    %iota3A = tpu.iota {dimensions = array<i32: 0>} : vector<6400x128xi32>
    %iota3A_3 = tpu.iota {dimensions = array<i32: 1>} : vector<6400x128xi32>
    %mul3A = arith.constant 128 : i32
    %mul3A_4 = vector.broadcast %mul3A : i32 to vector<6400x128xi32>
    %mul3A_5 = arith.muli %iota3A, %mul3A_4 : vector<6400x128xi32>
    %add3A = arith.addi %mul3A_5, %iota3A_3 : vector<6400x128xi32>
    %jit3A = arith.constant 200 : i32
    %eq3A = arith.constant 0 : i32
    %eq3A_6 = arith.cmpi eq, %jit3A, %eq3A : i32
    %jit3A_7 = arith.constant 1 : i32
    %select_n3A = arith.select %eq3A_6, %jit3A_7, %jit3A : i32
    %rem3A = vector.broadcast %select_n3A : i32 to vector<6400x128xi32>
    %rem3A_8 = arith.remui %add3A, %rem3A : vector<6400x128xi32>
    %ne3A = arith.constant 0 : i32
    %ne3A_9 = vector.broadcast %ne3A : i32 to vector<6400x128xi32>
    %ne3A_10 = arith.cmpi ne, %rem3A_8, %ne3A_9 : vector<6400x128xi32>
    %lt3A = arith.constant 0 : i32
    %lt3A_11 = vector.broadcast %lt3A : i32 to vector<6400x128xi32>
    %lt3A_12 = arith.cmpi ult, %rem3A_8, %lt3A_11 : vector<6400x128xi32>
    %lt3A_13 = arith.constant 0 : i32
    %lt3A_14 = arith.cmpi ult, %select_n3A, %lt3A_13 : i32
    %ne3A_15 = vector.broadcast %lt3A_14 : i1 to vector<6400x128xi1>
    %ne3A_16 = vector.broadcast %ne3A_15 : vector<6400x128xi1> to vector<6400x128xi1>
    %ne3A_17 = arith.xori %lt3A_12, %ne3A_16 : vector<6400x128xi1>
    %and3A = arith.andi %ne3A_17, %ne3A_10 : vector<6400x128xi1>
    %add3A_18 = vector.broadcast %select_n3A : i32 to vector<6400x128xi32>
    %add3A_19 = arith.addi %rem3A_8, %add3A_18 : vector<6400x128xi32>
    %select_n3A_20 = arith.select %and3A, %add3A_19, %rem3A_8 : vector<6400x128xi1>, vector<6400x128xi32>
    %ge3A = arith.constant 1 : i32
    %ge3A_21 = vector.broadcast %ge3A : i32 to vector<6400x128xi32>
    %ge3A_22 = arith.cmpi uge, %select_n3A_20, %ge3A_21 : vector<6400x128xi32>
    %slice3A_23 = vector.extract_strided_slice %concatenate3A {offsets = [0, 127], sizes = [6400, 1], strides = [1, 1]} : vector<6400x128xi32> to vector<6400x1xi32>
    %slice3A_24 = vector.extract_strided_slice %get3A_1 {offsets = [0, 0], sizes = [6400, 127], strides = [1, 1]} : vector<6400x128xi32> to vector<6400x127xi32>
    %concatenate3A_25 = tpu.concatenate %slice3A_23, %slice3A_24 in 1 : vector<6400x1xi32>, vector<6400x127xi32> -> vector<6400x128xi32>
    %jit3A_26 = arith.constant 0 : i32
    %broadcast_in_dim3A_27 = vector.broadcast %jit3A_26 : i32 to vector<6400x128xi32>
    %select_n3A_28 = arith.select %ge3A_22, %concatenate3A_25, %broadcast_in_dim3A_27 : vector<6400x128xi1>, vector<6400x128xi32>
    %ge3A_29 = arith.constant 2 : i32
    %ge3A_30 = vector.broadcast %ge3A_29 : i32 to vector<6400x128xi32>
    %ge3A_31 = arith.cmpi uge, %select_n3A_20, %ge3A_30 : vector<6400x128xi32>
    %slice3A_32 = vector.extract_strided_slice %concatenate3A {offsets = [0, 126], sizes = [6400, 2], strides = [1, 1]} : vector<6400x128xi32> to vector<6400x2xi32>
    %slice3A_33 = vector.extract_strided_slice %get3A_1 {offsets = [0, 0], sizes = [6400, 126], strides = [1, 1]} : vector<6400x128xi32> to vector<6400x126xi32>
    %concatenate3A_34 = tpu.concatenate %slice3A_32, %slice3A_33 in 1 : vector<6400x2xi32>, vector<6400x126xi32> -> vector<6400x128xi32>
    %jit3A_35 = arith.constant 0 : i32
    %broadcast_in_dim3A_36 = vector.broadcast %jit3A_35 : i32 to vector<6400x128xi32>
    %select_n3A_37 = arith.select %ge3A_31, %concatenate3A_34, %broadcast_in_dim3A_36 : vector<6400x128xi1>, vector<6400x128xi32>
    %ge3A_38 = arith.constant 3 : i32
    %ge3A_39 = vector.broadcast %ge3A_38 : i32 to vector<6400x128xi32>
    %ge3A_40 = arith.cmpi uge, %select_n3A_20, %ge3A_39 : vector<6400x128xi32>
    %slice3A_41 = vector.extract_strided_slice %concatenate3A {offsets = [0, 125], sizes = [6400, 3], strides = [1, 1]} : vector<6400x128xi32> to vector<6400x3xi32>
    %slice3A_42 = vector.extract_strided_slice %get3A_1 {offsets = [0, 0], sizes = [6400, 125], strides = [1, 1]} : vector<6400x128xi32> to vector<6400x125xi32>
    %concatenate3A_43 = tpu.concatenate %slice3A_41, %slice3A_42 in 1 : vector<6400x3xi32>, vector<6400x125xi32> -> vector<6400x128xi32>
    %jit3A_44 = arith.constant 0 : i32
    %broadcast_in_dim3A_45 = vector.broadcast %jit3A_44 : i32 to vector<6400x128xi32>
    %select_n3A_46 = arith.select %ge3A_40, %concatenate3A_43, %broadcast_in_dim3A_45 : vector<6400x128xi1>, vector<6400x128xi32>
    %mul3A_47 = arith.constant -1640531535 : i32
    %mul3A_48 = vector.broadcast %mul3A_47 : i32 to vector<6400x128xi32>
    %mul3A_49 = arith.muli %select_n3A_28, %mul3A_48 : vector<6400x128xi32>
    %add3A_50 = arith.addi %mul3A_49, %get3A_1 : vector<6400x128xi32>
    %mul3A_51 = arith.constant -1651615 : i32
    %mul3A_52 = vector.broadcast %mul3A_51 : i32 to vector<6400x128xi32>
    %mul3A_53 = arith.muli %select_n3A_37, %mul3A_52 : vector<6400x128xi32>
    %add3A_54 = arith.addi %mul3A_53, %add3A_50 : vector<6400x128xi32>
    %mul3A_55 = arith.constant -872142831 : i32
    %mul3A_56 = vector.broadcast %mul3A_55 : i32 to vector<6400x128xi32>
    %mul3A_57 = arith.muli %select_n3A_46, %mul3A_56 : vector<6400x128xi32>
    %add3A_58 = arith.addi %mul3A_57, %add3A_54 : vector<6400x128xi32>
    %jit3A_59 = arith.constant 1000000 : i32
    %eq3A_60 = arith.constant 0 : i32
    %eq3A_61 = arith.cmpi eq, %jit3A_59, %eq3A_60 : i32
    %jit3A_62 = arith.constant 1 : i32
    %select_n3A_63 = arith.select %eq3A_61, %jit3A_62, %jit3A_59 : i32
    %rem3A_64 = vector.broadcast %select_n3A_63 : i32 to vector<6400x128xi32>
    %rem3A_65 = arith.remui %add3A_50, %rem3A_64 : vector<6400x128xi32>
    %ne3A_66 = arith.constant 0 : i32
    %ne3A_67 = vector.broadcast %ne3A_66 : i32 to vector<6400x128xi32>
    %ne3A_68 = arith.cmpi ne, %rem3A_65, %ne3A_67 : vector<6400x128xi32>
    %lt3A_69 = arith.constant 0 : i32
    %lt3A_70 = vector.broadcast %lt3A_69 : i32 to vector<6400x128xi32>
    %lt3A_71 = arith.cmpi ult, %rem3A_65, %lt3A_70 : vector<6400x128xi32>
    %lt3A_72 = arith.constant 0 : i32
    %lt3A_73 = arith.cmpi ult, %select_n3A_63, %lt3A_72 : i32
    %ne3A_74 = vector.broadcast %lt3A_73 : i1 to vector<6400x128xi1>
    %ne3A_75 = vector.broadcast %ne3A_74 : vector<6400x128xi1> to vector<6400x128xi1>
    %ne3A_76 = arith.xori %lt3A_71, %ne3A_75 : vector<6400x128xi1>
    %and3A_77 = arith.andi %ne3A_76, %ne3A_68 : vector<6400x128xi1>
    %add3A_78 = vector.broadcast %select_n3A_63 : i32 to vector<6400x128xi32>
    %add3A_79 = arith.addi %rem3A_65, %add3A_78 : vector<6400x128xi32>
    %select_n3A_80 = arith.select %and3A_77, %add3A_79, %rem3A_65 : vector<6400x128xi1>, vector<6400x128xi32>
    %swap3A = arith.constant 0 : index
    %swap3A_81 = arith.constant 0 : index
    %swap3A_82 = arith.constant 0 : index
    %swap3A_83 = vector.load %arg1[%swap3A, %swap3A_81, %swap3A_82] : memref<3x6400x128xi32, #tpu.memory_space<vmem>>, vector<1x6400x128xi32>
    %swap3A_84 = vector.shape_cast %swap3A_83 : vector<1x6400x128xi32> to vector<6400x128xi32>
    %swap3A_85 = vector.shape_cast %select_n3A_80 : vector<6400x128xi32> to vector<1x6400x128xi32>
    tpu.vector_store %arg1[%swap3A, %swap3A_81, %swap3A_82], %swap3A_85 {strides = array<i32>} : memref<3x6400x128xi32, #tpu.memory_space<vmem>>, vector<1x6400x128xi32>,
    %jit3A_86 = arith.constant 1000000 : i32
    %eq3A_87 = arith.constant 0 : i32
    %eq3A_88 = arith.cmpi eq, %jit3A_86, %eq3A_87 : i32
    %jit3A_89 = arith.constant 1 : i32
    %select_n3A_90 = arith.select %eq3A_88, %jit3A_89, %jit3A_86 : i32
    %rem3A_91 = vector.broadcast %select_n3A_90 : i32 to vector<6400x128xi32>
    %rem3A_92 = arith.remui %add3A_54, %rem3A_91 : vector<6400x128xi32>
    %ne3A_93 = arith.constant 0 : i32
    %ne3A_94 = vector.broadcast %ne3A_93 : i32 to vector<6400x128xi32>
    %ne3A_95 = arith.cmpi ne, %rem3A_92, %ne3A_94 : vector<6400x128xi32>
    %lt3A_96 = arith.constant 0 : i32
    %lt3A_97 = vector.broadcast %lt3A_96 : i32 to vector<6400x128xi32>
    %lt3A_98 = arith.cmpi ult, %rem3A_92, %lt3A_97 : vector<6400x128xi32>
    %lt3A_99 = arith.constant 0 : i32
    %lt3A_100 = arith.cmpi ult, %select_n3A_90, %lt3A_99 : i32
    %ne3A_101 = vector.broadcast %lt3A_100 : i1 to vector<6400x128xi1>
    %ne3A_102 = vector.broadcast %ne3A_101 : vector<6400x128xi1> to vector<6400x128xi1>
    %ne3A_103 = arith.xori %lt3A_98, %ne3A_102 : vector<6400x128xi1>
    %and3A_104 = arith.andi %ne3A_103, %ne3A_95 : vector<6400x128xi1>
    %add3A_105 = vector.broadcast %select_n3A_90 : i32 to vector<6400x128xi32>
    %add3A_106 = arith.addi %rem3A_92, %add3A_105 : vector<6400x128xi32>
    %select_n3A_107 = arith.select %and3A_104, %add3A_106, %rem3A_92 : vector<6400x128xi1>, vector<6400x128xi32>
    %swap3A_108 = arith.constant 1 : index
    %swap3A_109 = arith.constant 0 : index
    %swap3A_110 = arith.constant 0 : index
    %swap3A_111 = vector.load %arg1[%swap3A_108, %swap3A_109, %swap3A_110] : memref<3x6400x128xi32, #tpu.memory_space<vmem>>, vector<1x6400x128xi32>
    %swap3A_112 = vector.shape_cast %swap3A_111 : vector<1x6400x128xi32> to vector<6400x128xi32>
    %swap3A_113 = vector.shape_cast %select_n3A_107 : vector<6400x128xi32> to vector<1x6400x128xi32>
    tpu.vector_store %arg1[%swap3A_108, %swap3A_109, %swap3A_110], %swap3A_113 {strides = array<i32>} : memref<3x6400x128xi32, #tpu.memory_space<vmem>>, vector<1x6400x128xi32>,
    %jit3A_114 = arith.constant 1000000 : i32
    %eq3A_115 = arith.constant 0 : i32
    %eq3A_116 = arith.cmpi eq, %jit3A_114, %eq3A_115 : i32
    %jit3A_117 = arith.constant 1 : i32
    %select_n3A_118 = arith.select %eq3A_116, %jit3A_117, %jit3A_114 : i32
    %rem3A_119 = vector.broadcast %select_n3A_118 : i32 to vector<6400x128xi32>
    %rem3A_120 = arith.remui %add3A_58, %rem3A_119 : vector<6400x128xi32>
    %ne3A_121 = arith.constant 0 : i32
    %ne3A_122 = vector.broadcast %ne3A_121 : i32 to vector<6400x128xi32>
    %ne3A_123 = arith.cmpi ne, %rem3A_120, %ne3A_122 : vector<6400x128xi32>
    %lt3A_124 = arith.constant 0 : i32
    %lt3A_125 = vector.broadcast %lt3A_124 : i32 to vector<6400x128xi32>
    %lt3A_126 = arith.cmpi ult, %rem3A_120, %lt3A_125 : vector<6400x128xi32>
    %lt3A_127 = arith.constant 0 : i32
    %lt3A_128 = arith.cmpi ult, %select_n3A_118, %lt3A_127 : i32
    %ne3A_129 = vector.broadcast %lt3A_128 : i1 to vector<6400x128xi1>
    %ne3A_130 = vector.broadcast %ne3A_129 : vector<6400x128xi1> to vector<6400x128xi1>
    %ne3A_131 = arith.xori %lt3A_126, %ne3A_130 : vector<6400x128xi1>
    %and3A_132 = arith.andi %ne3A_131, %ne3A_123 : vector<6400x128xi1>
    %add3A_133 = vector.broadcast %select_n3A_118 : i32 to vector<6400x128xi32>
    %add3A_134 = arith.addi %rem3A_120, %add3A_133 : vector<6400x128xi32>
    %select_n3A_135 = arith.select %and3A_132, %add3A_134, %rem3A_120 : vector<6400x128xi1>, vector<6400x128xi32>
    %swap3A_136 = arith.constant 2 : index
    %swap3A_137 = arith.constant 0 : index
    %swap3A_138 = arith.constant 0 : index
    %swap3A_139 = vector.load %arg1[%swap3A_136, %swap3A_137, %swap3A_138] : memref<3x6400x128xi32, #tpu.memory_space<vmem>>, vector<1x6400x128xi32>
    %swap3A_140 = vector.shape_cast %swap3A_139 : vector<1x6400x128xi32> to vector<6400x128xi32>
    %swap3A_141 = vector.shape_cast %select_n3A_135 : vector<6400x128xi32> to vector<1x6400x128xi32>
    tpu.vector_store %arg1[%swap3A_136, %swap3A_137, %swap3A_138], %swap3A_141 {strides = array<i32>} : memref<3x6400x128xi32, #tpu.memory_space<vmem>>, vector<1x6400x128xi32>,
    return
  }
}

</mosaic_0001>

<sc_bundles>
// kernel: kernel.4.cloned.1.call-start
scs
__scs_entry_jumppad:
0x0: {  	(pc) =	sbr.rel $0x88, $3  }
0x1: {  	(tag) =	ssettag $0x0;
	lr =	simm.s32 $0x1  }
0x2: {  	[smem:$0x3F9D] =	sst lr;
	_ =	strace $0xD0000000  }
0x3: {  	_ = 	snop  }
0x4: {  	_ = 	snop  }
0x5: {  	_ = 	snop  }
0x6: {  	_ = 	snop  }
0x7: {  	_ = 	snop  }
__scs_overlays_trampoline_lowered:
0x8: {  	[smem:$0x3FAC] =	sst s0  }
0x9: {  	[smem:$0x3FAD] =	sst s1  }
0xa: {  	[smem:$0x3FAE] =	sst s2  }
0xb: {  	[smem:$0x3FAF] =	sst s3  }
0xc: {  	[smem:$0x3FB0] =	sst s4  }
0xd: {  	[smem:$0x3FB1] =	sst s5  }
0xe: {  	[smem:$0x3FB2] =	sst s6  }
0xf: {  	[smem:$0x3FB3] =	sst s7  }
0x10: {  	[smem:$0x3FB4] =	sst s8  }
0x11: {  	[smem:$0x3FB5] =	sst s9;
	s0 =	simm.s32 @!p0 $0x0  }
0x12: {  	s1 =	sld [smem:$0x3F9B];
	s0 =	simm.s32 @p0 $0x1  }
0x13: {  	[smem:$0x3FB6] =	sst s0;
	s0 =	simm.s32 @!p1 $0x0  }
0x14: {  	s2 =	sld [smem:$0x3F9A];
	s0 =	simm.s32 @p1 $0x1  }
0x15: {  	[smem:$0x3FB7] =	sst s0;
	s0 =	simm.s32 @!p2 $0x0  }
0x16: {  	s3 =	sld [smem:$0x3FDB];
	s0 =	simm.s32 @p2 $0x1  }
0x17: {  	s4 =	simm.s32 $0x1BF5;
	[smem:$0x3FB9] =	sst s0  }
0x18: {  	s0 =	sld [smem:$0x3F9C];
	_ =	swait.ge [sflag:s4], $0x0  }
0x19: {  	s7 =	sld [smem:$0x3F9D]  }
0x1a: {  	s8 =	sadd.s32 $0xFFFFE003, lr  }
0x1b: {  	s9 =	sadd.s32 $0xFFFFFEF7, lr;
	s5 =	simm.s32 $0xFFFFFFFF;
	p2 =	slt.u32 s8, $0xFFFFF086  }
0x1c: {  	p1 =	slt.u32 s9, $0xF7A;
	s5 =	simm.s32 @!p2 $0x0  }
0x1d: {  	s5 =	simm.s32 @p1 $0x1;
	p0 =	seq.s32 s7, s2  }
0x1e: {  	s7 =	smul.u32 @!p0 $0xF7A, s2;
	p2 =	seq.s32 @!p0 s5, $0x0  }
0x1f: {  	s9 =	smul.u32 $0xF7A, s1;
	s8 =	simm.s32 @!p0 $0x1BF5;
	p2 =	por !p2, p0  }
0x20: {  	[sflag:s8] =	ssyncset.s32 @!p0 $0xFFFFF086;
	s6 =	sadd.s32 @!p0 s3, s7;
	s7 =	simm.s32 @!p0 $0x108  }
0x21: {  	s3 =	sadd.s32 s3, s9;
	s6 =	sadd.s32 @!p0 $0x88, s6;
	s7 =	simm.s32 @p2 $0x1082  }
0x22: {  	[simem:s7], [sflag:s8] =	dma.local @!p0 [hbm:s6], $0xF7A  }
0x23: {  	s9 =	sor.u32 $0xD0000000, s2;
	s6 =	simm.s32 $0x108;
	_ =	swait.ge @!p0 [sflag:s8], $0x0  }
0x24: {  	s3 =	sadd.s32 $0x88, s3;
	s6 =	simm.s32 @!p1 $0x1082;
	[sflag:s4] =	ssyncset.s32 $0xFFFFF086  }
0x25: {  	[simem:s6], [sflag:s4] =	dma.local [hbm:s3], $0xF7A  }
0x26: {  	[smem:$0x3F9D] =	sst s1;
	(tag) =	ssettag s2;
	_ =	strace s9  }
0x27: {  	s1 =	sld [smem:$0x3FAD]  }
0x28: {  	s2 =	sld [smem:$0x3FAE]  }
0x29: {  	s4 =	sld [smem:$0x3FB0]  }
0x2a: {  	p0 =	seq.s32 s5, $0x0;
	s5 =	sld [smem:$0x3FB1]  }
0x2b: {  	s6 =	sld [smem:$0x3FB2]  }
0x2c: {  	s7 =	sld [smem:$0x3FB3]  }
0x2d: {  	s3 =	simm.s32 $0x108;
	s8 =	sld [smem:$0x3FB4]  }
0x2e: {  	s3 =	simm.s32 @!p0 $0x1082;
	s9 =	sld [smem:$0x3FB5]  }
0x2f: {  	lr =	sadd.s32 s0, s3;
	s0 =	sld [smem:$0x3FAC]  }
0x30: {  	s3 =	sld [smem:$0x3FAF]  }
0x31: {  	[smem:$0x3FB8] =	sst s10  }
0x32: {  	s10 =	sld [smem:$0x3FB6];
	_ =	sdelay $0x3  }
0x33: {  	p0 =	seq.s32 s10, $0x1;
	s10 =	sld [smem:$0x3FB8];
	_ =	sdelay $0x3  }
0x34: {  	[smem:$0x3FB8] =	sst s10  }
0x35: {  	s10 =	sld [smem:$0x3FB7];
	_ =	sdelay $0x3  }
0x36: {  	p1 =	seq.s32 s10, $0x1;
	s10 =	sld [smem:$0x3FB8];
	_ =	sdelay $0x3  }
0x37: {  	[smem:$0x3FB8] =	sst s10  }
0x38: {  	s10 =	sld [smem:$0x3FB9]  }
0x39: {  	_ = 	snop;
	(pc) =	sbr.ind lr, $3  }
0x3a: {  	_ = 	snop  }
0x3b: {  	_ = 	snop  }
0x3c: {  	p2 =	seq.s32 s10, $0x1;
	s10 =	sld [smem:$0x3FB8]  }
0x3d: {  	_ =	shalt  }
0x3e: {  	_ =	shalt  }
0x3f: {  	_ =	shalt  }
0x40: {  	_ =	shalt  }
0x41: {  	_ =	shalt  }
0x42: {  	_ =	shalt  }
0x43: {  	_ =	shalt  }
0x44: {  	_ =	shalt  }
0x45: {  	_ =	shalt  }
0x46: {  	_ =	shalt  }
0x47: {  	_ =	shalt  }
0x48: {  	_ =	shalt  }
0x49: {  	_ =	shalt  }
0x4a: {  	_ =	shalt  }
0x4b: {  	_ =	shalt  }
0x4c: {  	_ =	shalt  }
0x4d: {  	_ =	shalt  }
0x4e: {  	_ =	shalt  }
0x4f: {  	_ =	shalt  }
0x50: {  	_ =	shalt  }
0x51: {  	_ =	shalt  }
0x52: {  	_ =	shalt  }
0x53: {  	_ =	shalt  }
0x54: {  	_ =	shalt  }
0x55: {  	_ =	shalt  }
0x56: {  	_ =	shalt  }
0x57: {  	_ =	shalt  }
0x58: {  	_ =	shalt  }
0x59: {  	_ =	shalt  }
0x5a: {  	_ =	shalt  }
0x5b: {  	_ =	shalt  }
0x5c: {  	_ =	shalt  }
0x5d: {  	_ =	shalt  }
0x5e: {  	_ =	shalt  }
0x5f: {  	_ =	shalt  }
0x60: {  	_ =	shalt  }
0x61: {  	_ =	shalt  }
0x62: {  	_ =	shalt  }
0x63: {  	_ =	shalt  }
0x64: {  	_ =	shalt  }
0x65: {  	_ =	shalt  }
0x66: {  	_ =	shalt  }
0x67: {  	_ =	shalt  }
0x68: {  	_ =	shalt  }
0x69: {  	_ =	shalt  }
0x6a: {  	_ =	shalt  }
0x6b: {  	_ =	shalt  }
0x6c: {  	_ =	shalt  }
0x6d: {  	_ =	shalt  }
0x6e: {  	_ =	shalt  }
0x6f: {  	_ =	shalt  }
0x70: {  	_ =	shalt  }
0x71: {  	_ =	shalt  }
0x72: {  	_ =	shalt  }
0x73: {  	_ =	shalt  }
0x74: {  	_ =	shalt  }
0x75: {  	_ =	shalt  }
0x76: {  	_ =	shalt  }
0x77: {  	_ =	shalt  }
0x78: {  	_ =	shalt  }
0x79: {  	_ =	shalt  }
0x7a: {  	_ =	shalt  }
0x7b: {  	_ =	shalt  }
0x7c: {  	_ =	shalt  }
0x7d: {  	_ =	shalt  }
0x7e: {  	_ =	shalt  }
0x7f: {  	_ =	shalt  }
0x80: {  	_ =	shalt  }
0x81: {  	_ =	shalt  }
0x82: {  	_ =	shalt  }
0x83: {  	_ =	shalt  }
0x84: {  	_ =	shalt  }
0x85: {  	_ =	shalt  }
0x86: {  	_ =	shalt  }
0x87: {  	_ =	shalt  }
.Lfunc_end0:
.L_simem_size_0:
called_computation_lowered:
.L_overlay_start_0:
0x88: {  	s2 =	sld [smem:$0x3FD9]  }
0x89: {  	s3 =	sld [smem:$0x3FFE];
	_ =	sdelay $0x1  }
0x8a: {  	s1 =	srdreg.scid  }
0x8b: {  	s0 =	sand.u32 $0x1, s1  }
0x8c: {  	s17 =	sshll.u32 s0, $0xA;
	s2 =	sadd.s32 s3, s2  }
0x8d: {  	s2 =	sadd.s32 s2, s17  }
0x8e: {  	[smem:$0x3FC4] =	sst s2  }
0x8f: {  	_ = 	snop  }
0x90: {  	s2 =	sld [smem:$0x3FC8]  }
0x91: {  	s18 =	sld [smem:$0x3FC7]  }
0x92: {  	s4 =	sld [smem:$0x3FC6]  }
0x93: {  	s5 =	sld [smem:$0x3FD0];
	(tm) =	ssettm $0x1  }
0x94: {  	s6 =	sld [smem:$0x3FFB];
	_ =	sdelay $0x3  }
0x95: {  	_ =	strace s6  }
0x96: {  	s6 =	sld [smem:$0x3FFC];
	_ =	sdelay $0x3  }
0x97: {  	_ =	strace s6  }
0x98: {  	s6 =	sld [smem:$0x3FFD];
	_ =	sdelay $0x3  }
0x99: {  	_ =	strace s6  }
0x9a: {  	_ =	strace $0x8FFFFFFF  }
0x9b: {  	s19 =	sld [smem:$0x3FDB];
	_ =	sdelay $0x1  }
0x9c: {  	s7 =	simm.s32 $_scs_section_size  }
0x9d: {  	s8 =	simm.s32 $_size__tile_overlayer_lowered;
	s9 =	simm.s32 $_tile_overlayer_lowered  }
0x9e: {  	s22 =	simm.s32 $0x1BFF;
	s21 =	sshll.u32 s9, $0x1;
	s6 =	sadd.s32 s7, s19  }
0x9f: {  	s10 =	simm.s32 $0x0;
	s20 =	sshll.u32 s8, $0x1;
	s8 =	sadd.s32 s21, s6  }
0xa0: {  	[timem:s10], [sflag:s22] =	dma.local [hbm:s8], s20  }
0xa1: {  	_ =	swait.ge [sflag:s22], s20  }
0xa2: {  	s7 =	ssub.s32 $0x0, s20;
	[sflag:s22] =	ssyncset.done $0x0  }
0xa3: {  	[sflag:s22] =	ssyncadd.s32 s7;
	_ =	sdelay $0x1  }
0xa4: {  	s23 =	simm.s32 $0x1B8B  }
0xa5: {  	_ =	swait.ge [sflag:s23], $0x1  }
0xa6: {  	[sflag:s23] =	ssyncset.done $0x0  }
0xa7: {  	s25 =	simm.s32 $0x1B8E;
	s24 =	sld [smem:$0x3FFE];
	[sflag:s23] =	ssyncadd.s32 $0xFFFFFFFF  }
0xa8: {  	s26 =	simm.s32 $execute0_lowered;
	[smem:$0x3FD2] =	sst s25  }
0xa9: {  	s8 =	sshll.u32 s26, $0x1;
	_ =	strace $0x80000046;
	[dreg:$0x1] =	wrdreg $0xFFFFFFFF  }
0xaa: {  	s28 =	simm.s32 $_size_execute0_lowered;
	s6 =	sadd.s32 s6, s8;
	[dreg:$0x0] =	wrdreg $0x0  }
0xab: {  	s8 =	sshll.u32 s28, $0x1;
	[dreg:$0x2] =	wrdreg s6  }
0xac: {  	[dreg:$0x3] =	wrdreg s8  }
0xad: {  	[dreg:$0x4] =	wrdreg $0xC0  }
0xae: {  	_ =	task [dreg:s10], $0x5FFFF  }
0xaf: {  	[dreg:$0x1] =	wrdreg $0xFFFFFFFF  }
0xb0: {  	[dreg:$0x0] =	wrdreg $0x60  }
0xb1: {  	[dreg:$0x2] =	wrdreg s5  }
0xb2: {  	[dreg:$0x3] =	wrdreg s2  }
0xb3: {  	[dreg:$0x4] =	wrdreg s18  }
0xb4: {  	[dreg:$0x5] =	wrdreg s4  }
0xb5: {  	[dreg:$0x6] =	wrdreg s24  }
0xb6: {  	[dreg:$0x7] =	wrdreg $0xDF000  }
0xb7: {  	[dreg:$0x8] =	wrdreg $0x9  }
0xb8: {  	_ =	task.clear_ibuf [dreg:s10], $0x9FFFF;
	_ =	strace $0x90000046  }
0xb9: {  	s29 =	simm.s32 $0x9;
	_ =	strace $0x80000048  }
0xba: {  	_ =	swait.ge [sflag:s29], $0x1  }
0xbb: {  	[sflag:s29] =	ssyncadd.s32 $0xFFFFFFFF  }
0xbc: {  	_ =	strace $0x90000048  }
0xbd: {  	_ =	sfence  }
0xbe: {  	s30 =	sld [smem:$0x0];
	_ =	sdelay $0x2  }
0xbf: {  	s31 =	sshll.u32 s1, $0xD;
	s1 =	sshrl.u32 s1, $0x2  }
0xc0: {  	s3 =	sand.u32 $0x4000, s31;
	s1 =	sadd.s32 s1, s30  }
0xc1: {  	s0 =	sor.u32 s3, s0;
	s1 =	sshll.u32 s1, $0x11  }
0xc2: {  	s0 =	sor.u32 s1, s0  }
0xc3: {  	s0 =	sadd.s32 $0x8F2B, s0  }
0xc4: {  	[sflag:s0] =	ssyncadd.remote.s32 $0x1  }
0xc5: {  	_ =	sfence.sel $0xFFFF  }
0xc6: {  	[dreg:$0x0] =	wrdreg $0xFFFFFFFF;
	(pc) =	sbr.abs _section_cstart, $3  }
0xc7: {  	[dreg:$0x1] =	wrdreg $0xFFFFFFFF  }
0xc8: {  	_ =	task.clear_ibuf [dreg:s10], $0x2FFFF;
	_ =	strace $0x9FFFFFFF  }
0xc9: {  	(tm) =	ssettm $0x7FFFFFFF  }
tec
execute0_lowered:
.L_overlay_start_1:
0x0: {  	(tag) =	ssettag $0x1  }
0x1: {  	s1 =	rddreg [dreg:$0x0]  }
0x2: {  	s0 =	rddreg [dreg:$0x1]  }
0x3: {  	s10 =	rddreg [dreg:$0x2]  }
0x4: {  	s2 =	srdreg.scid;
	s4 =	rddreg [dreg:$0x3]  }
0x5: {  	s6 =	stileid.u32;
	s8 =	rddreg [dreg:$0x4]  }
0x6: {  	s3 =	rddreg [dreg:$0x5];
	s11 =	sand.u32 $0x1, s2;
	s23 =	sshll.u32 s6, $0x1  }
0x7: {  	p0 =	por $0x0, $0x0;
	s12 =	smul.u32 $0xF420, s6;
	s2 =	sor.u32 s11, s23  }
0x8: {  	s8 =	sadd.s32 $0x600, s8;
	s11 =	ssub.s32 $0x2, s11;
	s5 =	smul.u32 $0x6400, s2  }
0x9: {  	s2 =	simm.s32 $0x0;
	s6 =	sshrl.u32 s12, $0x3;
	s13 =	sadd.s32 $0x3D18, s12  }
0xa: {  	s14 =	sadd.s32 $0x7A30, s12;
	s16 =	sadd.s32 $0xB748, s12;
	[smem:$0x7FF] =	sst s2  }
0xb: {  	s24 =	sadd.s32 s0, s6;
	s9 =	sshrl.u32 s14, $0x3;
	s5 =	sshrl.u32 s5, $0x3  }
0xc: {  	_ =	strace $0x80000047;
	[dreg:$0x8] =	wrdreg s24;
	s25 =	sadd.s32 s0, s9  }
0xd: {  	s21 =	sshrl.u32 s16, $0x3;
	s7 =	sadd.s32 s1, s5;
	[dreg:$0xa] =	wrdreg s25  }
0xe: {  	s26 =	sadd.s32 $0x320, s5;
	s19 =	sadd.s32 s8, s5;
	[dreg:$0x7] =	wrdreg s7  }
0xf: {  	s17 =	sadd.s32 $0x640, s5;
	s18 =	sadd.s32 s1, s26;
	[dreg:$0xd] =	wrdreg s19  }
0x10: {  	s28 =	sadd.s32 s4, s6;
	s20 =	sadd.s32 s1, s17;
	[dreg:$0xc] =	wrdreg s18  }
0x11: {  	s23 =	sadd.s32 $0x960, s5;
	s22 =	sadd.s32 s8, s26;
	[dreg:$0xe] =	wrdreg s20  }
0x12: {  	s7 =	sshrl.u32 s13, $0x3;
	s24 =	sadd.s32 s1, s23;
	[dreg:$0xf] =	wrdreg s22  }
0x13: {  	s25 =	sadd.s32 s8, s17;
	s17 =	sadd.s32 $0x19000, s5;
	[dreg:$0x10] =	wrdreg s24  }
0x14: {  	s19 =	sadd.s32 s10, s6;
	s6 =	sadd.s32 $0x32640, s5;
	[dreg:$0x11] =	wrdreg s25  }
0x15: {  	s15 =	sadd.s32 s0, s7;
	s0 =	sadd.s32 s0, s21;
	[dreg:$0x14] =	wrdreg s19  }
0x16: {  	s26 =	sadd.s32 s1, s17;
	s18 =	sadd.s32 s8, s23;
	[dreg:$0x9] =	wrdreg s15  }
0x17: {  	s20 =	sshrl.u32 s11, $0x1;
	s22 =	sadd.s32 s10, s7;
	[dreg:$0xb] =	wrdreg s0  }
0x18: {  	s23 =	sadd.s32 s10, s9;
	s24 =	sadd.s32 s10, s21;
	[dreg:$0x12] =	wrdreg s26  }
0x19: {  	s25 =	sadd.s32 $0x19320, s5;
	s29 =	sadd.s32 s4, s7;
	[dreg:$0x13] =	wrdreg s18  }
0x1a: {  	s21 =	sadd.s32 s4, s21;
	s10 =	sadd.s32 $0x32960, s5;
	[dreg:$0x15] =	wrdreg s22  }
0x1b: {  	s11 =	ssub.s32 s11, s20;
	[dreg:$0x16] =	wrdreg s23;
	s20 =	sadd.s32 s12, s3  }
0x1c: {  	[dreg:$0x17] =	wrdreg s24;
	s26 =	sadd.s32 s1, s25;
	s12 =	sadd.s32 s8, s17  }
0x1d: {  	s15 =	sadd.s32 $0x19640, s5;
	s18 =	sadd.s32 s13, s3;
	s0 =	rddreg [dreg:$0x7]  }
0x1e: {  	s22 =	sadd.s32 s8, s25;
	s23 =	sadd.s32 $0x19960, s5;
	[dreg:$0x18] =	wrdreg s26  }
0x1f: {  	s17 =	sadd.s32 s14, s3;
	s31 =	sadd.s32 s8, s10;
	[dreg:$0x19] =	wrdreg s12  }
0x20: {  	s19 =	sadd.s32 s1, s15;
	[dreg:$0x1b] =	wrdreg s22;
	s24 =	sadd.s32 s1, s23  }
0x21: {  	s25 =	sadd.s32 s8, s15;
	s26 =	sadd.s32 $0x32000, s5;
	s30 =	sadd.s32 s8, s23  }
0x22: {  	s15 =	sadd.s32 s1, s6;
	s14 =	smax.u32 s11, $0x1;
	[dreg:$0x1a] =	wrdreg s19  }
0x23: {  	s23 =	simm.s32 $0xA180;
	s22 =	simm.s32 $0x2;
	[dreg:$0x1c] =	wrdreg s24  }
0x24: {  	s11 =	simm.s32 $0x3200;
	s19 =	sadd.s32 s16, s3;
	[dreg:$0x1d] =	wrdreg s25  }
0x25: {  	s12 =	sadd.s32 s1, s26;
	s24 =	sadd.s32 s4, s9;
	p1 =	sne.s32 s14, $0x1  }
.Ltmp0:
0x26: {  	s4 =	sadd.s32 $0x32320, s5;
	s13 =	sadd.s32 s8, s26;
	(pc) =	sbr.rel @!p1 .LBB2_3-.Ltmp0, $4  }
0x27: {  	s9 =	sadd.s32 s1, s10;
	s26 =	simm.s32 $0x6400;
	s25 =	simm.s32 $0x1  }
0x28: {  	s5 =	simm.s32 $0x1900;
	s10 =	simm.s32 $0x4;
	s16 =	sadd.s32 s1, s4  }
0x29: {  	s7 =	sadd.s32 s8, s4;
	s4 =	sadd.s32 s8, s6;
	s1 =	sadd.s32 $0xFFFFFFFF, s14  }
0x2a: {  	s14 =	simm.s32 $0x3;
	s8 =	simm.s32 $0x4B00;
	s6 =	simm.s32 $0x5  }
0x2b: {  	[smem:$0x7FD] =	sst s1  }
0x2c: {  	[tilespmem:s2], [sflag:$0x3] =	stream.linear.gather [hbm4b:s0+s2], $0x1900, $0x38;
	[tilespmem:$0x1D328] =	vst v63  }
0x2d: {  	s1 =	rddreg [dreg:$0x8]  }
0x2e: {  	[tilespmem:s26], [sflag:$0x1] =	stream.linear.gather [hbm4b:s1+s2], $0x3D18, $0x38;
	[tilespmem:$0x1D328] =	vst v63  }
0x2f: {  	s0 =	rddreg [dreg:$0x9]  }
0x30: {  	[tilespmem:s23], [sflag:$0x1] =	stream.linear.gather [hbm4b:s0+s2], $0x3D18, $0x38;
	[tilespmem:$0x1D328] =	vst v63  }
0x31: {  	_ =	swait.ge [sflag:s25], $0x3D18  }
0x32: {  	[sflag:s25] =	ssyncset.done $0x0  }
0x33: {  	[sflag:s25] =	ssyncadd.s32 $0xFFFFC2E8  }
0x34: {  	[spmem:s20] =	stream.linear.scatter [tilespmem:s26], [sflag:$0x2], $0x3D18, $0x38;
	[tilespmem:$0x1D328] =	vst v63  }
0x35: {  	_ =	swait.ge [sflag:s22], $0x3D18  }
0x36: {  	[sflag:s22] =	ssyncset.done $0x0  }
0x37: {  	s1 =	rddreg [dreg:$0xa];
	[sflag:s22] =	ssyncadd.s32 $0xFFFFC2E8  }
0x38: {  	[tilespmem:s26], [sflag:$0x1] =	stream.linear.gather [hbm4b:s1+s2], $0x3D18, $0x38;
	[tilespmem:$0x1D328] =	vst v63  }
0x39: {  	_ =	swait.ge [sflag:s25], $0x3D18  }
0x3a: {  	[sflag:s25] =	ssyncset.done $0x0  }
0x3b: {  	[sflag:s25] =	ssyncadd.s32 $0xFFFFC2E8  }
0x3c: {  	[spmem:s18] =	stream.linear.scatter [tilespmem:s23], [sflag:$0x2], $0x3D18, $0x38;
	[tilespmem:$0x1D328] =	vst v63  }
0x3d: {  	_ =	swait.ge [sflag:s22], $0x3D18  }
0x3e: {  	[sflag:s22] =	ssyncset.done $0x0  }
0x3f: {  	s1 =	rddreg [dreg:$0xb];
	[sflag:s22] =	ssyncadd.s32 $0xFFFFC2E8  }
0x40: {  	[tilespmem:s23], [sflag:$0x1] =	stream.linear.gather [hbm4b:s1+s2], $0x3D18, $0x38;
	[tilespmem:$0x1D328] =	vst v63  }
0x41: {  	_ =	swait.ge [sflag:s25], $0x3D18  }
0x42: {  	[sflag:s25] =	ssyncset.done $0x0  }
0x43: {  	[sflag:s25] =	ssyncadd.s32 $0xFFFFC2E8  }
0x44: {  	[spmem:s17] =	stream.linear.scatter [tilespmem:s26], [sflag:$0x2], $0x3D18, $0x38;
	[tilespmem:$0x1D328] =	vst v63  }
0x45: {  	_ =	swait.ge [sflag:s25], $0x3D18  }
0x46: {  	[sflag:s25] =	ssyncset.done $0x0  }
0x47: {  	[sflag:s25] =	ssyncadd.s32 $0xFFFFC2E8  }
0x48: {  	[spmem:s19] =	stream.linear.scatter [tilespmem:s23], [sflag:$0x2], $0x3D18, $0x38;
	[tilespmem:$0x1D328] =	vst v63  }
0x49: {  	_ =	swait.ge [sflag:s22], $0x3D18  }
0x4a: {  	[sflag:s22] =	ssyncset.done $0x0  }
0x4b: {  	[sflag:s22] =	ssyncadd.s32 $0xFFFFC2E8  }
0x4c: {  	_ =	swait.ge [sflag:s22], $0x3D18  }
0x4d: {  	[sflag:s22] =	ssyncset.done $0x0  }
0x4e: {  	[sflag:s22] =	ssyncadd.s32 $0xFFFFC2E8  }
0x4f: {  	[bflag:$0x0] =	sbarrier.arrive $0xFFFF  }
0x50: {  	_ =	swait.ge [sflag:s14], $0x1900  }
0x51: {  	[sflag:s14] =	ssyncset.done $0x0  }
0x52: {  	[sflag:s14] =	ssyncadd.s32 $0xFFFFE700  }
0x53: {  	[tilespmem:s11], [sflag:$0x4] =	stream.indirect.gather [spmem:s3], $0x1, s2, s5, $0xb8;
	[tilespmem:$0x1D328] =	vst v63  }
0x54: {  	s1 =	rddreg [dreg:$0xc]  }
0x55: {  	[tilespmem:s5], [sflag:$0x3] =	stream.linear.gather [hbm4b:s1+s2], $0x1900, $0x38;
	[tilespmem:$0x1D328] =	vst v63  }
0x56: {  	_ =	swait.ge [sflag:s14], $0x1900  }
0x57: {  	[sflag:s14] =	ssyncset.done $0x0  }
0x58: {  	[sflag:s14] =	ssyncadd.s32 $0xFFFFE700  }
0x59: {  	[tilespmem:s8], [sflag:$0x4] =	stream.indirect.gather [spmem:s3], $0x1, s5, s5, $0xb8;
	[tilespmem:$0x1D328] =	vst v63  }
0x5a: {  	_ =	swait.ge [sflag:s10], $0x1900  }
0x5b: {  	[sflag:s10] =	ssyncset.done $0x0  }
0x5c: {  	s0 =	rddreg [dreg:$0xd];
	[sflag:s10] =	ssyncadd.s32 $0xFFFFE700  }
0x5d: {  	[hbm4b:s0+s2] =	stream.linear.scatter [tilespmem:s11], [sflag:$0x5], $0x1900, $0x38;
	[tilespmem:$0x1D328] =	vst v63  }
0x5e: {  	s1 =	rddreg [dreg:$0xe]  }
0x5f: {  	[tilespmem:s2], [sflag:$0x3] =	stream.linear.gather [hbm4b:s1+s2], $0x1900, $0x38;
	[tilespmem:$0x1D328] =	vst v63  }
0x60: {  	_ =	swait.ge [sflag:s14], $0x1900  }
0x61: {  	[sflag:s14] =	ssyncset.done $0x0  }
0x62: {  	[sflag:s14] =	ssyncadd.s32 $0xFFFFE700  }
0x63: {  	_ =	swait.ge [sflag:s6], $0x1900  }
0x64: {  	[sflag:s6] =	ssyncset.done $0x0  }
0x65: {  	[sflag:s6] =	ssyncadd.s32 $0xFFFFE700  }
0x66: {  	[tilespmem:s11], [sflag:$0x4] =	stream.indirect.gather [spmem:s3], $0x1, s2, s5, $0xb8;
	[tilespmem:$0x1D328] =	vst v63  }
0x67: {  	_ =	swait.ge [sflag:s10], $0x1900  }
0x68: {  	[sflag:s10] =	ssyncset.done $0x0  }
0x69: {  	s0 =	rddreg [dreg:$0xf];
	[sflag:s10] =	ssyncadd.s32 $0xFFFFE700  }
0x6a: {  	[hbm4b:s0+s2] =	stream.linear.scatter [tilespmem:s8], [sflag:$0x5], $0x1900, $0x38;
	[tilespmem:$0x1D328] =	vst v63  }
0x6b: {  	s1 =	rddreg [dreg:$0x10]  }
0x6c: {  	[tilespmem:s5], [sflag:$0x3] =	stream.linear.gather [hbm4b:s1+s2], $0x1900, $0x38;
	[tilespmem:$0x1D328] =	vst v63  }
0x6d: {  	_ =	swait.ge [sflag:s14], $0x1900  }
0x6e: {  	[sflag:s14] =	ssyncset.done $0x0  }
0x6f: {  	[sflag:s14] =	ssyncadd.s32 $0xFFFFE700  }
0x70: {  	_ =	swait.ge [sflag:s6], $0x1900  }
0x71: {  	[sflag:s6] =	ssyncset.done $0x0  }
0x72: {  	[sflag:s6] =	ssyncadd.s32 $0xFFFFE700  }
0x73: {  	[tilespmem:s8], [sflag:$0x4] =	stream.indirect.gather [spmem:s3], $0x1, s5, s5, $0xb8;
	[tilespmem:$0x1D328] =	vst v63  }
0x74: {  	_ =	swait.ge [sflag:s10], $0x1900  }
0x75: {  	[sflag:s10] =	ssyncset.done $0x0  }
0x76: {  	s0 =	rddreg [dreg:$0x11];
	[sflag:s10] =	ssyncadd.s32 $0xFFFFE700  }
0x77: {  	[hbm4b:s0+s2] =	stream.linear.scatter [tilespmem:s11], [sflag:$0x5], $0x1900, $0x38;
	[tilespmem:$0x1D328] =	vst v63  }
0x78: {  	s1 =	rddreg [dreg:$0x12]  }
0x79: {  	[tilespmem:s2], [sflag:$0x3] =	stream.linear.gather [hbm4b:s1+s2], $0x1900, $0x38;
	[tilespmem:$0x1D328] =	vst v63  }
0x7a: {  	_ =	swait.ge [sflag:s10], $0x1900  }
0x7b: {  	[sflag:s10] =	ssyncset.done $0x0  }
0x7c: {  	s1 =	rddreg [dreg:$0x13];
	[sflag:s10] =	ssyncadd.s32 $0xFFFFE700  }
0x7d: {  	[hbm4b:s1+s2] =	stream.linear.scatter [tilespmem:s8], [sflag:$0x5], $0x1900, $0x38;
	[tilespmem:$0x1D328] =	vst v63  }
0x7e: {  	[bflag:$0x0] =	sbarrier.arrive $0xFFFF  }
0x7f: {  	s0 =	rddreg [dreg:$0x14]  }
0x80: {  	[tilespmem:s26], [sflag:$0x1] =	stream.linear.gather [hbm4b:s0+s2], $0x3D18, $0x38;
	[tilespmem:$0x1D328] =	vst v63  }
0x81: {  	s1 =	rddreg [dreg:$0x15]  }
0x82: {  	[tilespmem:s23], [sflag:$0x1] =	stream.linear.gather [hbm4b:s1+s2], $0x3D18, $0x38;
	[tilespmem:$0x1D328] =	vst v63  }
0x83: {  	_ =	swait.ge [sflag:s25], $0x3D18  }
0x84: {  	[sflag:s25] =	ssyncset.done $0x0  }
0x85: {  	[sflag:s25] =	ssyncadd.s32 $0xFFFFC2E8  }
0x86: {  	[spmem:s20] =	stream.linear.scatter [tilespmem:s26], [sflag:$0x2], $0x3D18, $0x38;
	[tilespmem:$0x1D328] =	vst v63  }
0x87: {  	_ =	swait.ge [sflag:s22], $0x3D18  }
0x88: {  	[sflag:s22] =	ssyncset.done $0x0  }
0x89: {  	s1 =	rddreg [dreg:$0x16];
	[sflag:s22] =	ssyncadd.s32 $0xFFFFC2E8  }
0x8a: {  	[tilespmem:s26], [sflag:$0x1] =	stream.linear.gather [hbm4b:s1+s2], $0x3D18, $0x38;
	[tilespmem:$0x1D328] =	vst v63  }
0x8b: {  	_ =	swait.ge [sflag:s25], $0x3D18  }
0x8c: {  	[sflag:s25] =	ssyncset.done $0x0  }
0x8d: {  	[sflag:s25] =	ssyncadd.s32 $0xFFFFC2E8  }
0x8e: {  	[spmem:s18] =	stream.linear.scatter [tilespmem:s23], [sflag:$0x2], $0x3D18, $0x38;
	[tilespmem:$0x1D328] =	vst v63  }
0x8f: {  	_ =	swait.ge [sflag:s22], $0x3D18  }
0x90: {  	[sflag:s22] =	ssyncset.done $0x0  }
0x91: {  	s1 =	rddreg [dreg:$0x17];
	[sflag:s22] =	ssyncadd.s32 $0xFFFFC2E8  }
0x92: {  	[tilespmem:s23], [sflag:$0x1] =	stream.linear.gather [hbm4b:s1+s2], $0x3D18, $0x38;
	[tilespmem:$0x1D328] =	vst v63  }
0x93: {  	_ =	swait.ge [sflag:s25], $0x3D18  }
0x94: {  	[sflag:s25] =	ssyncset.done $0x0  }
0x95: {  	[sflag:s25] =	ssyncadd.s32 $0xFFFFC2E8  }
0x96: {  	[spmem:s17] =	stream.linear.scatter [tilespmem:s26], [sflag:$0x2], $0x3D18, $0x38;
	[tilespmem:$0x1D328] =	vst v63  }
0x97: {  	_ =	swait.ge [sflag:s25], $0x3D18  }
0x98: {  	[sflag:s25] =	ssyncset.done $0x0  }
0x99: {  	[sflag:s25] =	ssyncadd.s32 $0xFFFFC2E8  }
0x9a: {  	[spmem:s19] =	stream.linear.scatter [tilespmem:s23], [sflag:$0x2], $0x3D18, $0x38;
	[tilespmem:$0x1D328] =	vst v63  }
0x9b: {  	_ =	swait.ge [sflag:s22], $0x3D18  }
0x9c: {  	[sflag:s22] =	ssyncset.done $0x0  }
0x9d: {  	[sflag:s22] =	ssyncadd.s32 $0xFFFFC2E8  }
0x9e: {  	_ =	swait.ge [sflag:s22], $0x3D18  }
0x9f: {  	[sflag:s22] =	ssyncset.done $0x0  }
0xa0: {  	[sflag:s22] =	ssyncadd.s32 $0xFFFFC2E8  }
0xa1: {  	[bflag:$0x0] =	sbarrier.arrive $0xFFFF  }
0xa2: {  	_ =	swait.ge [sflag:s14], $0x1900  }
0xa3: {  	[sflag:s14] =	ssyncset.done $0x0  }
0xa4: {  	[sflag:s14] =	ssyncadd.s32 $0xFFFFE700  }
0xa5: {  	_ =	swait.ge [sflag:s6], $0x1900  }
0xa6: {  	[sflag:s6] =	ssyncset.done $0x0  }
0xa7: {  	[sflag:s6] =	ssyncadd.s32 $0xFFFFE700  }
0xa8: {  	[tilespmem:s11], [sflag:$0x4] =	stream.indirect.gather [spmem:s3], $0x1, s2, s5, $0xb8;
	[tilespmem:$0x1D328] =	vst v63  }
0xa9: {  	s1 =	rddreg [dreg:$0x18]  }
0xaa: {  	[tilespmem:s5], [sflag:$0x3] =	stream.linear.gather [hbm4b:s1+s2], $0x1900, $0x38;
	[tilespmem:$0x1D328] =	vst v63  }
0xab: {  	_ =	swait.ge [sflag:s14], $0x1900  }
0xac: {  	[sflag:s14] =	ssyncset.done $0x0  }
0xad: {  	[sflag:s14] =	ssyncadd.s32 $0xFFFFE700  }
0xae: {  	_ =	swait.ge [sflag:s6], $0x1900  }
0xaf: {  	[sflag:s6] =	ssyncset.done $0x0  }
0xb0: {  	[sflag:s6] =	ssyncadd.s32 $0xFFFFE700  }
0xb1: {  	[tilespmem:s8], [sflag:$0x4] =	stream.indirect.gather [spmem:s3], $0x1, s5, s5, $0xb8;
	[tilespmem:$0x1D328] =	vst v63  }
0xb2: {  	_ =	swait.ge [sflag:s10], $0x1900  }
0xb3: {  	[sflag:s10] =	ssyncset.done $0x0  }
0xb4: {  	s0 =	rddreg [dreg:$0x19];
	[sflag:s10] =	ssyncadd.s32 $0xFFFFE700  }
0xb5: {  	[hbm4b:s0+s2] =	stream.linear.scatter [tilespmem:s11], [sflag:$0x5], $0x1900, $0x38;
	[tilespmem:$0x1D328] =	vst v63  }
0xb6: {  	s1 =	rddreg [dreg:$0x1a]  }
0xb7: {  	[tilespmem:s2], [sflag:$0x3] =	stream.linear.gather [hbm4b:s1+s2], $0x1900, $0x38;
	[tilespmem:$0x1D328] =	vst v63  }
0xb8: {  	_ =	swait.ge [sflag:s14], $0x1900  }
0xb9: {  	[sflag:s14] =	ssyncset.done $0x0  }
0xba: {  	[sflag:s14] =	ssyncadd.s32 $0xFFFFE700  }
0xbb: {  	_ =	swait.ge [sflag:s6], $0x1900  }
0xbc: {  	[sflag:s6] =	ssyncset.done $0x0  }
0xbd: {  	[sflag:s6] =	ssyncadd.s32 $0xFFFFE700  }
0xbe: {  	[tilespmem:s11], [sflag:$0x4] =	stream.indirect.gather [spmem:s3], $0x1, s2, s5, $0xb8;
	[tilespmem:$0x1D328] =	vst v63  }
0xbf: {  	_ =	swait.ge [sflag:s10], $0x1900  }
0xc0: {  	[sflag:s10] =	ssyncset.done $0x0  }
0xc1: {  	s0 =	rddreg [dreg:$0x1b];
	[sflag:s10] =	ssyncadd.s32 $0xFFFFE700  }
0xc2: {  	[hbm4b:s0+s2] =	stream.linear.scatter [tilespmem:s8], [sflag:$0x5], $0x1900, $0x38;
	[tilespmem:$0x1D328] =	vst v63  }
0xc3: {  	s1 =	rddreg [dreg:$0x1c]  }
0xc4: {  	[tilespmem:s5], [sflag:$0x3] =	stream.linear.gather [hbm4b:s1+s2], $0x1900, $0x38;
	[tilespmem:$0x1D328] =	vst v63  }
0xc5: {  	_ =	swait.ge [sflag:s14], $0x1900  }
0xc6: {  	[sflag:s14] =	ssyncset.done $0x0  }
0xc7: {  	[sflag:s14] =	ssyncadd.s32 $0xFFFFE700  }
0xc8: {  	_ =	swait.ge [sflag:s6], $0x1900  }
0xc9: {  	[sflag:s6] =	ssyncset.done $0x0  }
0xca: {  	[sflag:s6] =	ssyncadd.s32 $0xFFFFE700  }
0xcb: {  	[tilespmem:s8], [sflag:$0x4] =	stream.indirect.gather [spmem:s3], $0x1, s5, s5, $0xb8;
	[tilespmem:$0x1D328] =	vst v63  }
0xcc: {  	_ =	swait.ge [sflag:s10], $0x1900  }
0xcd: {  	[sflag:s10] =	ssyncset.done $0x0  }
0xce: {  	s1 =	rddreg [dreg:$0x1d];
	[sflag:s10] =	ssyncadd.s32 $0xFFFFE700  }
0xcf: {  	[hbm4b:s1+s2] =	stream.linear.scatter [tilespmem:s11], [sflag:$0x5], $0x1900, $0x38;
	[tilespmem:$0x1D328] =	vst v63  }
0xd0: {  	_ = 	snop  }
0xd1: {  	[tilespmem:s2], [sflag:$0x3] =	stream.linear.gather [hbm4b:s12+s2], $0x1900, $0x38;
	[tilespmem:$0x1D328] =	vst v63  }
0xd2: {  	_ =	swait.ge [sflag:s10], $0x1900  }
0xd3: {  	[sflag:s10] =	ssyncset.done $0x0  }
0xd4: {  	[sflag:s10] =	ssyncadd.s32 $0xFFFFE700  }
0xd5: {  	[hbm4b:s30+s2] =	stream.linear.scatter [tilespmem:s8], [sflag:$0x5], $0x1900, $0x38;
	[tilespmem:$0x1D328] =	vst v63  }
0xd6: {  	[bflag:$0x0] =	sbarrier.arrive $0xFFFF  }
0xd7: {  	[tilespmem:s26], [sflag:$0x1] =	stream.linear.gather [hbm4b:s28+s2], $0x3D18, $0x38;
	[tilespmem:$0x1D328] =	vst v63  }
0xd8: {  	_ = 	snop  }
0xd9: {  	[tilespmem:s23], [sflag:$0x1] =	stream.linear.gather [hbm4b:s29+s2], $0x3D18, $0x38;
	[tilespmem:$0x1D328] =	vst v63  }
0xda: {  	_ =	swait.ge [sflag:s25], $0x3D18  }
0xdb: {  	[sflag:s25] =	ssyncset.done $0x0  }
0xdc: {  	[sflag:s25] =	ssyncadd.s32 $0xFFFFC2E8  }
0xdd: {  	[spmem:s20] =	stream.linear.scatter [tilespmem:s26], [sflag:$0x2], $0x3D18, $0x38;
	[tilespmem:$0x1D328] =	vst v63  }
0xde: {  	_ =	swait.ge [sflag:s22], $0x3D18  }
0xdf: {  	[sflag:s22] =	ssyncset.done $0x0  }
0xe0: {  	[sflag:s22] =	ssyncadd.s32 $0xFFFFC2E8  }
0xe1: {  	[tilespmem:s26], [sflag:$0x1] =	stream.linear.gather [hbm4b:s24+s2], $0x3D18, $0x38;
	[tilespmem:$0x1D328] =	vst v63  }
0xe2: {  	_ =	swait.ge [sflag:s25], $0x3D18  }
0xe3: {  	[sflag:s25] =	ssyncset.done $0x0  }
0xe4: {  	[sflag:s25] =	ssyncadd.s32 $0xFFFFC2E8  }
0xe5: {  	[spmem:s18] =	stream.linear.scatter [tilespmem:s23], [sflag:$0x2], $0x3D18, $0x38;
	[tilespmem:$0x1D328] =	vst v63  }
0xe6: {  	_ =	swait.ge [sflag:s22], $0x3D18  }
0xe7: {  	[sflag:s22] =	ssyncset.done $0x0  }
0xe8: {  	[sflag:s22] =	ssyncadd.s32 $0xFFFFC2E8  }
0xe9: {  	[tilespmem:s23], [sflag:$0x1] =	stream.linear.gather [hbm4b:s21+s2], $0x3D18, $0x38;
	[tilespmem:$0x1D328] =	vst v63  }
0xea: {  	_ =	swait.ge [sflag:s25], $0x3D18  }
0xeb: {  	[sflag:s25] =	ssyncset.done $0x0  }
0xec: {  	[sflag:s25] =	ssyncadd.s32 $0xFFFFC2E8  }
0xed: {  	[spmem:s17] =	stream.linear.scatter [tilespmem:s26], [sflag:$0x2], $0x3D18, $0x38;
	[tilespmem:$0x1D328] =	vst v63  }
0xee: {  	_ =	swait.ge [sflag:s25], $0x3D18  }
0xef: {  	[sflag:s25] =	ssyncset.done $0x0  }
0xf0: {  	[sflag:s25] =	ssyncadd.s32 $0xFFFFC2E8  }
0xf1: {  	[spmem:s19] =	stream.linear.scatter [tilespmem:s23], [sflag:$0x2], $0x3D18, $0x38;
	[tilespmem:$0x1D328] =	vst v63  }
0xf2: {  	_ =	swait.ge [sflag:s22], $0x3D18  }
0xf3: {  	[sflag:s22] =	ssyncset.done $0x0  }
0xf4: {  	[sflag:s22] =	ssyncadd.s32 $0xFFFFC2E8  }
0xf5: {  	_ =	swait.ge [sflag:s22], $0x3D18  }
0xf6: {  	[sflag:s22] =	ssyncset.done $0x0  }
0xf7: {  	[sflag:s22] =	ssyncadd.s32 $0xFFFFC2E8  }
0xf8: {  	[bflag:$0x0] =	sbarrier.arrive $0xFFFF  }
0xf9: {  	_ =	swait.ge [sflag:s14], $0x1900  }
0xfa: {  	[sflag:s14] =	ssyncset.done $0x0  }
0xfb: {  	[sflag:s14] =	ssyncadd.s32 $0xFFFFE700  }
0xfc: {  	_ =	swait.ge [sflag:s6], $0x1900  }
0xfd: {  	[sflag:s6] =	ssyncset.done $0x0  }
0xfe: {  	[sflag:s6] =	ssyncadd.s32 $0xFFFFE700  }
0xff: {  	[tilespmem:s11], [sflag:$0x4] =	stream.indirect.gather [spmem:s3], $0x1, s2, s5, $0xb8;
	[tilespmem:$0x1D328] =	vst v63  }
0x100: {  	_ = 	snop  }
0x101: {  	[tilespmem:s5], [sflag:$0x3] =	stream.linear.gather [hbm4b:s16+s2], $0x1900, $0x38;
	[tilespmem:$0x1D328] =	vst v63  }
0x102: {  	_ =	swait.ge [sflag:s14], $0x1900  }
0x103: {  	[sflag:s14] =	ssyncset.done $0x0  }
0x104: {  	[sflag:s14] =	ssyncadd.s32 $0xFFFFE700  }
0x105: {  	_ =	swait.ge [sflag:s6], $0x1900  }
0x106: {  	[sflag:s6] =	ssyncset.done $0x0  }
0x107: {  	[sflag:s6] =	ssyncadd.s32 $0xFFFFE700  }
0x108: {  	[tilespmem:s8], [sflag:$0x4] =	stream.indirect.gather [spmem:s3], $0x1, s5, s5, $0xb8;
	[tilespmem:$0x1D328] =	vst v63  }
0x109: {  	_ =	swait.ge [sflag:s10], $0x1900  }
0x10a: {  	[sflag:s10] =	ssyncset.done $0x0  }
0x10b: {  	[sflag:s10] =	ssyncadd.s32 $0xFFFFE700  }
0x10c: {  	[hbm4b:s13+s2] =	stream.linear.scatter [tilespmem:s11], [sflag:$0x5], $0x1900, $0x38;
	[tilespmem:$0x1D328] =	vst v63  }
0x10d: {  	_ = 	snop  }
0x10e: {  	[tilespmem:s2], [sflag:$0x3] =	stream.linear.gather [hbm4b:s15+s2], $0x1900, $0x38;
	[tilespmem:$0x1D328] =	vst v63  }
0x10f: {  	_ =	swait.ge [sflag:s14], $0x1900  }
0x110: {  	[sflag:s14] =	ssyncset.done $0x0  }
0x111: {  	[sflag:s14] =	ssyncadd.s32 $0xFFFFE700  }
0x112: {  	_ =	swait.ge [sflag:s6], $0x1900  }
0x113: {  	[sflag:s6] =	ssyncset.done $0x0  }
0x114: {  	[sflag:s6] =	ssyncadd.s32 $0xFFFFE700  }
0x115: {  	[tilespmem:s11], [sflag:$0x4] =	stream.indirect.gather [spmem:s3], $0x1, s2, s5, $0xb8;
	[tilespmem:$0x1D328] =	vst v63  }
0x116: {  	_ =	swait.ge [sflag:s10], $0x1900  }
0x117: {  	[sflag:s10] =	ssyncset.done $0x0  }
0x118: {  	[sflag:s10] =	ssyncadd.s32 $0xFFFFE700  }
0x119: {  	[hbm4b:s7+s2] =	stream.linear.scatter [tilespmem:s8], [sflag:$0x5], $0x1900, $0x38;
	[tilespmem:$0x1D328] =	vst v63  }
0x11a: {  	_ = 	snop  }
0x11b: {  	[tilespmem:s5], [sflag:$0x3] =	stream.linear.gather [hbm4b:s9+s2], $0x1900, $0x38;
	[tilespmem:$0x1D328] =	vst v63  }
0x11c: {  	_ =	swait.ge [sflag:s14], $0x1900  }
0x11d: {  	[sflag:s14] =	ssyncset.done $0x0  }
0x11e: {  	[sflag:s14] =	ssyncadd.s32 $0xFFFFE700  }
0x11f: {  	_ =	swait.ge [sflag:s6], $0x1900  }
0x120: {  	[sflag:s6] =	ssyncset.done $0x0  }
0x121: {  	[sflag:s6] =	ssyncadd.s32 $0xFFFFE700  }
0x122: {  	[tilespmem:s8], [sflag:$0x4] =	stream.indirect.gather [spmem:s3], $0x1, s5, s5, $0xb8;
	[tilespmem:$0x1D328] =	vst v63  }
0x123: {  	_ =	swait.ge [sflag:s10], $0x1900  }
0x124: {  	[sflag:s10] =	ssyncset.done $0x0  }
0x125: {  	[sflag:s10] =	ssyncadd.s32 $0xFFFFE700  }
0x126: {  	[hbm4b:s4+s2] =	stream.linear.scatter [tilespmem:s11], [sflag:$0x5], $0x1900, $0x38;
	[tilespmem:$0x1D328] =	vst v63  }
0x127: {  	_ =	swait.ge [sflag:s10], $0x1900  }
0x128: {  	[sflag:s10] =	ssyncset.done $0x0  }
0x129: {  	[sflag:s10] =	ssyncadd.s32 $0xFFFFE700  }
0x12a: {  	[hbm4b:s31+s2] =	stream.linear.scatter [tilespmem:s8], [sflag:$0x5], $0x1900, $0x38;
	[tilespmem:$0x1D328] =	vst v63  }
0x12b: {  	_ =	swait.ge [sflag:s6], $0x1900  }
0x12c: {  	s1 =	sld [smem:$0x7FD];
	_ =	sdelay $0x2  }
0x12d: {  	p1 =	sne.s32 s1, $0x1  }
.Ltmp1:
0x12e: {  	[sflag:s6] =	ssyncset.done $0x0;
	(pc) =	sbr.rel @!p1 .LBB2_3-.Ltmp1, $4  }
0x12f: {  	[sflag:s6] =	ssyncadd.s32 $0xFFFFE700  }
0x130: {  	_ =	swait.ge [sflag:s6], $0x1900;
	[dreg:$0x1e] =	wrdreg s12  }
0x131: {  	p0 =	por $0x1, $0x1;
	[dreg:$0x1f] =	wrdreg s30  }
0x132: {  	s1 =	sadd.s32 $0xFFFFFFFF, s1;
	s0 =	rddreg [dreg:$0x7];
	[sflag:s6] =	ssyncset.done $0x0  }
.LBB2_2:
0x133: {  	[sflag:s6] =	ssyncadd.s32 $0xFFFFE700  }
0x134: {  	s12 =	simm.s32 $0x6400;
	s26 =	simm.s32 $0xA180;
	s30 =	smov.u32 s29  }
0x135: {  	s29 =	smov.u32 s28;
	s28 =	smov.u32 s24;
	s24 =	smov.u32 s21  }
0x136: {  	[tilespmem:s2], [sflag:$0x3] =	stream.linear.gather [hbm4b:s0+s2], $0x1900, $0x38;
	[tilespmem:$0x1D328] =	vst v63  }
0x137: {  	s21 =	smov.u32 s16;
	s8 =	smov.u32 s4;
	s4 =	rddreg [dreg:$0x8]  }
0x138: {  	[tilespmem:s12], [sflag:$0x1] =	stream.linear.gather [hbm4b:s4+s2], $0x3D18, $0x38;
	[tilespmem:$0x1D328] =	vst v63  }
0x139: {  	s16 =	smov.u32 s15;
	s15 =	smov.u32 s13;
	s13 =	rddreg [dreg:$0x9]  }
0x13a: {  	[tilespmem:s26], [sflag:$0x1] =	stream.linear.gather [hbm4b:s13+s2], $0x3D18, $0x38;
	[tilespmem:$0x1D328] =	vst v63  }
0x13b: {  	_ =	swait.ge [sflag:s25], $0x3D18  }
0x13c: {  	[sflag:s25] =	ssyncset.done $0x0  }
0x13d: {  	[sflag:s25] =	ssyncadd.s32 $0xFFFFC2E8  }
0x13e: {  	[spmem:s20] =	stream.linear.scatter [tilespmem:s12], [sflag:$0x2], $0x3D18, $0x38;
	[tilespmem:$0x1D328] =	vst v63  }
0x13f: {  	_ =	swait.ge [sflag:s22], $0x3D18  }
0x140: {  	[sflag:s22] =	ssyncset.done $0x0  }
0x141: {  	s13 =	rddreg [dreg:$0xa];
	[sflag:s22] =	ssyncadd.s32 $0xFFFFC2E8  }
0x142: {  	[tilespmem:s12], [sflag:$0x1] =	stream.linear.gather [hbm4b:s13+s2], $0x3D18, $0x38;
	[tilespmem:$0x1D328] =	vst v63  }
0x143: {  	_ =	swait.ge [sflag:s25], $0x3D18  }
0x144: {  	[sflag:s25] =	ssyncset.done $0x0  }
0x145: {  	[sflag:s25] =	ssyncadd.s32 $0xFFFFC2E8  }
0x146: {  	[spmem:s18] =	stream.linear.scatter [tilespmem:s26], [sflag:$0x2], $0x3D18, $0x38;
	[tilespmem:$0x1D328] =	vst v63  }
0x147: {  	_ =	swait.ge [sflag:s22], $0x3D18  }
0x148: {  	[sflag:s22] =	ssyncset.done $0x0  }
0x149: {  	s4 =	rddreg [dreg:$0xb];
	[sflag:s22] =	ssyncadd.s32 $0xFFFFC2E8  }
0x14a: {  	[tilespmem:s26], [sflag:$0x1] =	stream.linear.gather [hbm4b:s4+s2], $0x3D18, $0x38;
	[tilespmem:$0x1D328] =	vst v63  }
0x14b: {  	_ =	swait.ge [sflag:s25], $0x3D18  }
0x14c: {  	[sflag:s25] =	ssyncset.done $0x0  }
0x14d: {  	[sflag:s25] =	ssyncadd.s32 $0xFFFFC2E8  }
0x14e: {  	[spmem:s17] =	stream.linear.scatter [tilespmem:s12], [sflag:$0x2], $0x3D18, $0x38;
	[tilespmem:$0x1D328] =	vst v63  }
0x14f: {  	_ =	swait.ge [sflag:s25], $0x3D18  }
0x150: {  	[sflag:s25] =	ssyncset.done $0x0  }
0x151: {  	[sflag:s25] =	ssyncadd.s32 $0xFFFFC2E8  }
0x152: {  	[spmem:s19] =	stream.linear.scatter [tilespmem:s26], [sflag:$0x2], $0x3D18, $0x38;
	[tilespmem:$0x1D328] =	vst v63  }
0x153: {  	_ =	swait.ge [sflag:s22], $0x3D18  }
0x154: {  	[sflag:s22] =	ssyncset.done $0x0  }
0x155: {  	[sflag:s22] =	ssyncadd.s32 $0xFFFFC2E8  }
0x156: {  	_ =	swait.ge [sflag:s22], $0x3D18  }
0x157: {  	[sflag:s22] =	ssyncset.done $0x0  }
0x158: {  	[sflag:s22] =	ssyncadd.s32 $0xFFFFC2E8  }
0x159: {  	[bflag:$0x0] =	sbarrier.arrive $0xFFFF  }
0x15a: {  	_ =	swait.ge [sflag:s14], $0x1900  }
0x15b: {  	[sflag:s14] =	ssyncset.done $0x0  }
0x15c: {  	s23 =	simm.s32 $0x3200;
	[sflag:s14] =	ssyncadd.s32 $0xFFFFE700  }
0x15d: {  	[tilespmem:s23], [sflag:$0x4] =	stream.indirect.gather [spmem:s3], $0x1, s2, s5, $0xb8;
	[tilespmem:$0x1D328] =	vst v63  }
0x15e: {  	s13 =	rddreg [dreg:$0xc]  }
0x15f: {  	[tilespmem:s5], [sflag:$0x3] =	stream.linear.gather [hbm4b:s13+s2], $0x1900, $0x38;
	[tilespmem:$0x1D328] =	vst v63  }
0x160: {  	_ =	swait.ge [sflag:s14], $0x1900  }
0x161: {  	[sflag:s14] =	ssyncset.done $0x0  }
0x162: {  	s11 =	simm.s32 $0x4B00;
	[sflag:s14] =	ssyncadd.s32 $0xFFFFE700  }
0x163: {  	[tilespmem:s11], [sflag:$0x4] =	stream.indirect.gather [spmem:s3], $0x1, s5, s5, $0xb8;
	[tilespmem:$0x1D328] =	vst v63  }
0x164: {  	_ =	swait.ge [sflag:s10], $0x1900  }
0x165: {  	[sflag:s10] =	ssyncset.done $0x0  }
0x166: {  	s4 =	rddreg [dreg:$0xd];
	[sflag:s10] =	ssyncadd.s32 $0xFFFFE700  }
0x167: {  	[hbm4b:s4+s2] =	stream.linear.scatter [tilespmem:s23], [sflag:$0x5], $0x1900, $0x38;
	[tilespmem:$0x1D328] =	vst v63  }
0x168: {  	s13 =	rddreg [dreg:$0xe]  }
0x169: {  	[tilespmem:s2], [sflag:$0x3] =	stream.linear.gather [hbm4b:s13+s2], $0x1900, $0x38;
	[tilespmem:$0x1D328] =	vst v63  }
0x16a: {  	_ =	swait.ge [sflag:s14], $0x1900  }
0x16b: {  	[sflag:s14] =	ssyncset.done $0x0  }
0x16c: {  	[sflag:s14] =	ssyncadd.s32 $0xFFFFE700  }
0x16d: {  	_ =	swait.ge [sflag:s6], $0x1900  }
0x16e: {  	[sflag:s6] =	ssyncset.done $0x0  }
0x16f: {  	[sflag:s6] =	ssyncadd.s32 $0xFFFFE700  }
0x170: {  	[tilespmem:s23], [sflag:$0x4] =	stream.indirect.gather [spmem:s3], $0x1, s2, s5, $0xb8;
	[tilespmem:$0x1D328] =	vst v63  }
0x171: {  	_ =	swait.ge [sflag:s10], $0x1900  }
0x172: {  	[sflag:s10] =	ssyncset.done $0x0  }
0x173: {  	s4 =	rddreg [dreg:$0xf];
	[sflag:s10] =	ssyncadd.s32 $0xFFFFE700  }
0x174: {  	[hbm4b:s4+s2] =	stream.linear.scatter [tilespmem:s11], [sflag:$0x5], $0x1900, $0x38;
	[tilespmem:$0x1D328] =	vst v63  }
0x175: {  	s13 =	rddreg [dreg:$0x10]  }
0x176: {  	[tilespmem:s5], [sflag:$0x3] =	stream.linear.gather [hbm4b:s13+s2], $0x1900, $0x38;
	[tilespmem:$0x1D328] =	vst v63  }
0x177: {  	_ =	swait.ge [sflag:s14], $0x1900  }
0x178: {  	[sflag:s14] =	ssyncset.done $0x0  }
0x179: {  	[sflag:s14] =	ssyncadd.s32 $0xFFFFE700  }
0x17a: {  	_ =	swait.ge [sflag:s6], $0x1900  }
0x17b: {  	[sflag:s6] =	ssyncset.done $0x0  }
0x17c: {  	[sflag:s6] =	ssyncadd.s32 $0xFFFFE700  }
0x17d: {  	[tilespmem:s11], [sflag:$0x4] =	stream.indirect.gather [spmem:s3], $0x1, s5, s5, $0xb8;
	[tilespmem:$0x1D328] =	vst v63  }
0x17e: {  	_ =	swait.ge [sflag:s10], $0x1900  }
0x17f: {  	[sflag:s10] =	ssyncset.done $0x0  }
0x180: {  	s4 =	rddreg [dreg:$0x11];
	[sflag:s10] =	ssyncadd.s32 $0xFFFFE700  }
0x181: {  	[hbm4b:s4+s2] =	stream.linear.scatter [tilespmem:s23], [sflag:$0x5], $0x1900, $0x38;
	[tilespmem:$0x1D328] =	vst v63  }
0x182: {  	s13 =	rddreg [dreg:$0x12]  }
0x183: {  	[tilespmem:s2], [sflag:$0x3] =	stream.linear.gather [hbm4b:s13+s2], $0x1900, $0x38;
	[tilespmem:$0x1D328] =	vst v63  }
0x184: {  	_ =	swait.ge [sflag:s10], $0x1900  }
0x185: {  	[sflag:s10] =	ssyncset.done $0x0  }
0x186: {  	s13 =	rddreg [dreg:$0x13];
	[sflag:s10] =	ssyncadd.s32 $0xFFFFE700  }
0x187: {  	[hbm4b:s13+s2] =	stream.linear.scatter [tilespmem:s11], [sflag:$0x5], $0x1900, $0x38;
	[tilespmem:$0x1D328] =	vst v63  }
0x188: {  	[bflag:$0x0] =	sbarrier.arrive $0xFFFF  }
0x189: {  	s4 =	rddreg [dreg:$0x14]  }
0x18a: {  	[tilespmem:s12], [sflag:$0x1] =	stream.linear.gather [hbm4b:s4+s2], $0x3D18, $0x38;
	[tilespmem:$0x1D328] =	vst v63  }
0x18b: {  	s13 =	rddreg [dreg:$0x15]  }
0x18c: {  	[tilespmem:s26], [sflag:$0x1] =	stream.linear.gather [hbm4b:s13+s2], $0x3D18, $0x38;
	[tilespmem:$0x1D328] =	vst v63  }
0x18d: {  	_ =	swait.ge [sflag:s25], $0x3D18  }
0x18e: {  	[sflag:s25] =	ssyncset.done $0x0  }
0x18f: {  	[sflag:s25] =	ssyncadd.s32 $0xFFFFC2E8  }
0x190: {  	[spmem:s20] =	stream.linear.scatter [tilespmem:s12], [sflag:$0x2], $0x3D18, $0x38;
	[tilespmem:$0x1D328] =	vst v63  }
0x191: {  	_ =	swait.ge [sflag:s22], $0x3D18  }
0x192: {  	[sflag:s22] =	ssyncset.done $0x0  }
0x193: {  	s4 =	rddreg [dreg:$0x16];
	[sflag:s22] =	ssyncadd.s32 $0xFFFFC2E8  }
0x194: {  	[tilespmem:s12], [sflag:$0x1] =	stream.linear.gather [hbm4b:s4+s2], $0x3D18, $0x38;
	[tilespmem:$0x1D328] =	vst v63  }
0x195: {  	_ =	swait.ge [sflag:s25], $0x3D18  }
0x196: {  	[sflag:s25] =	ssyncset.done $0x0  }
0x197: {  	[sflag:s25] =	ssyncadd.s32 $0xFFFFC2E8  }
0x198: {  	[spmem:s18] =	stream.linear.scatter [tilespmem:s26], [sflag:$0x2], $0x3D18, $0x38;
	[tilespmem:$0x1D328] =	vst v63  }
0x199: {  	_ =	swait.ge [sflag:s22], $0x3D18  }
0x19a: {  	[sflag:s22] =	ssyncset.done $0x0  }
0x19b: {  	s13 =	rddreg [dreg:$0x17];
	[sflag:s22] =	ssyncadd.s32 $0xFFFFC2E8  }
0x19c: {  	[tilespmem:s26], [sflag:$0x1] =	stream.linear.gather [hbm4b:s13+s2], $0x3D18, $0x38;
	[tilespmem:$0x1D328] =	vst v63  }
0x19d: {  	_ =	swait.ge [sflag:s25], $0x3D18  }
0x19e: {  	[sflag:s25] =	ssyncset.done $0x0  }
0x19f: {  	[sflag:s25] =	ssyncadd.s32 $0xFFFFC2E8  }
0x1a0: {  	[spmem:s17] =	stream.linear.scatter [tilespmem:s12], [sflag:$0x2], $0x3D18, $0x38;
	[tilespmem:$0x1D328] =	vst v63  }
0x1a1: {  	_ =	swait.ge [sflag:s25], $0x3D18  }
0x1a2: {  	[sflag:s25] =	ssyncset.done $0x0  }
0x1a3: {  	[sflag:s25] =	ssyncadd.s32 $0xFFFFC2E8  }
0x1a4: {  	[spmem:s19] =	stream.linear.scatter [tilespmem:s26], [sflag:$0x2], $0x3D18, $0x38;
	[tilespmem:$0x1D328] =	vst v63  }
0x1a5: {  	_ =	swait.ge [sflag:s22], $0x3D18  }
0x1a6: {  	[sflag:s22] =	ssyncset.done $0x0  }
0x1a7: {  	[sflag:s22] =	ssyncadd.s32 $0xFFFFC2E8  }
0x1a8: {  	_ =	swait.ge [sflag:s22], $0x3D18  }
0x1a9: {  	[sflag:s22] =	ssyncset.done $0x0  }
0x1aa: {  	[sflag:s22] =	ssyncadd.s32 $0xFFFFC2E8  }
0x1ab: {  	[bflag:$0x0] =	sbarrier.arrive $0xFFFF  }
0x1ac: {  	_ =	swait.ge [sflag:s14], $0x1900  }
0x1ad: {  	[sflag:s14] =	ssyncset.done $0x0  }
0x1ae: {  	[sflag:s14] =	ssyncadd.s32 $0xFFFFE700  }
0x1af: {  	_ =	swait.ge [sflag:s6], $0x1900  }
0x1b0: {  	[sflag:s6] =	ssyncset.done $0x0  }
0x1b1: {  	[sflag:s6] =	ssyncadd.s32 $0xFFFFE700  }
0x1b2: {  	[tilespmem:s23], [sflag:$0x4] =	stream.indirect.gather [spmem:s3], $0x1, s2, s5, $0xb8;
	[tilespmem:$0x1D328] =	vst v63  }
0x1b3: {  	s4 =	rddreg [dreg:$0x18]  }
0x1b4: {  	[tilespmem:s5], [sflag:$0x3] =	stream.linear.gather [hbm4b:s4+s2], $0x1900, $0x38;
	[tilespmem:$0x1D328] =	vst v63  }
0x1b5: {  	_ =	swait.ge [sflag:s14], $0x1900  }
0x1b6: {  	[sflag:s14] =	ssyncset.done $0x0  }
0x1b7: {  	[sflag:s14] =	ssyncadd.s32 $0xFFFFE700  }
0x1b8: {  	_ =	swait.ge [sflag:s6], $0x1900  }
0x1b9: {  	[sflag:s6] =	ssyncset.done $0x0  }
0x1ba: {  	[sflag:s6] =	ssyncadd.s32 $0xFFFFE700  }
0x1bb: {  	[tilespmem:s11], [sflag:$0x4] =	stream.indirect.gather [spmem:s3], $0x1, s5, s5, $0xb8;
	[tilespmem:$0x1D328] =	vst v63  }
0x1bc: {  	_ =	swait.ge [sflag:s10], $0x1900  }
0x1bd: {  	[sflag:s10] =	ssyncset.done $0x0  }
0x1be: {  	s12 =	rddreg [dreg:$0x19];
	[sflag:s10] =	ssyncadd.s32 $0xFFFFE700  }
0x1bf: {  	[hbm4b:s12+s2] =	stream.linear.scatter [tilespmem:s23], [sflag:$0x5], $0x1900, $0x38;
	[tilespmem:$0x1D328] =	vst v63  }
0x1c0: {  	s13 =	rddreg [dreg:$0x1a]  }
0x1c1: {  	[tilespmem:s2], [sflag:$0x3] =	stream.linear.gather [hbm4b:s13+s2], $0x1900, $0x38;
	[tilespmem:$0x1D328] =	vst v63  }
0x1c2: {  	_ =	swait.ge [sflag:s14], $0x1900  }
0x1c3: {  	[sflag:s14] =	ssyncset.done $0x0  }
0x1c4: {  	[sflag:s14] =	ssyncadd.s32 $0xFFFFE700  }
0x1c5: {  	_ =	swait.ge [sflag:s6], $0x1900  }
0x1c6: {  	[sflag:s6] =	ssyncset.done $0x0  }
0x1c7: {  	[sflag:s6] =	ssyncadd.s32 $0xFFFFE700  }
0x1c8: {  	[tilespmem:s23], [sflag:$0x4] =	stream.indirect.gather [spmem:s3], $0x1, s2, s5, $0xb8;
	[tilespmem:$0x1D328] =	vst v63  }
0x1c9: {  	_ =	swait.ge [sflag:s10], $0x1900  }
0x1ca: {  	s12 =	rddreg [dreg:$0x1b];
	[sflag:s10] =	ssyncset.done $0x0  }
0x1cb: {  	s13 =	rddreg [dreg:$0x1c];
	[sflag:s10] =	ssyncadd.s32 $0xFFFFE700  }
0x1cc: {  	[hbm4b:s12+s2] =	stream.linear.scatter [tilespmem:s11], [sflag:$0x5], $0x1900, $0x38;
	[tilespmem:$0x1D328] =	vst v63  }
0x1cd: {  	s12 =	rddreg [dreg:$0x1e]  }
0x1ce: {  	[tilespmem:s5], [sflag:$0x3] =	stream.linear.gather [hbm4b:s13+s2], $0x1900, $0x38;
	[tilespmem:$0x1D328] =	vst v63  }
0x1cf: {  	s13 =	smov.u32 s15;
	s15 =	smov.u32 s16;
	s16 =	smov.u32 s21  }
0x1d0: {  	s21 =	smov.u32 s24;
	s24 =	smov.u32 s28;
	s28 =	smov.u32 s29  }
0x1d1: {  	s29 =	smov.u32 s30;
	s30 =	rddreg [dreg:$0x1f];
	_ =	swait.ge [sflag:s14], $0x1900  }
0x1d2: {  	[sflag:s14] =	ssyncset.done $0x0  }
0x1d3: {  	[sflag:s14] =	ssyncadd.s32 $0xFFFFE700  }
0x1d4: {  	_ =	swait.ge [sflag:s6], $0x1900  }
0x1d5: {  	[sflag:s6] =	ssyncset.done $0x0  }
0x1d6: {  	s4 =	smov.u32 s8;
	s8 =	simm.s32 $0x4B00;
	[sflag:s6] =	ssyncadd.s32 $0xFFFFE700  }
0x1d7: {  	[tilespmem:s8], [sflag:$0x4] =	stream.indirect.gather [spmem:s3], $0x1, s5, s5, $0xb8;
	[tilespmem:$0x1D328] =	vst v63  }
0x1d8: {  	_ =	swait.ge [sflag:s10], $0x1900  }
0x1d9: {  	[sflag:s10] =	ssyncset.done $0x0  }
0x1da: {  	s11 =	simm.s32 $0x3200;
	s0 =	rddreg [dreg:$0x1d];
	[sflag:s10] =	ssyncadd.s32 $0xFFFFE700  }
0x1db: {  	[hbm4b:s0+s2] =	stream.linear.scatter [tilespmem:s11], [sflag:$0x5], $0x1900, $0x38;
	[tilespmem:$0x1D328] =	vst v63  }
0x1dc: {  	_ = 	snop  }
0x1dd: {  	[tilespmem:s2], [sflag:$0x3] =	stream.linear.gather [hbm4b:s12+s2], $0x1900, $0x38;
	[tilespmem:$0x1D328] =	vst v63  }
0x1de: {  	_ =	swait.ge [sflag:s10], $0x1900  }
0x1df: {  	[sflag:s10] =	ssyncset.done $0x0  }
0x1e0: {  	[sflag:s10] =	ssyncadd.s32 $0xFFFFE700  }
0x1e1: {  	[hbm4b:s30+s2] =	stream.linear.scatter [tilespmem:s8], [sflag:$0x5], $0x1900, $0x38;
	[tilespmem:$0x1D328] =	vst v63  }
0x1e2: {  	s26 =	simm.s32 $0x6400;
	[bflag:$0x0] =	sbarrier.arrive $0xFFFF  }
0x1e3: {  	[tilespmem:s26], [sflag:$0x1] =	stream.linear.gather [hbm4b:s28+s2], $0x3D18, $0x38;
	[tilespmem:$0x1D328] =	vst v63  }
0x1e4: {  	s23 =	simm.s32 $0xA180  }
0x1e5: {  	[tilespmem:s23], [sflag:$0x1] =	stream.linear.gather [hbm4b:s29+s2], $0x3D18, $0x38;
	[tilespmem:$0x1D328] =	vst v63  }
0x1e6: {  	_ =	swait.ge [sflag:s25], $0x3D18  }
0x1e7: {  	[sflag:s25] =	ssyncset.done $0x0  }
0x1e8: {  	[sflag:s25] =	ssyncadd.s32 $0xFFFFC2E8  }
0x1e9: {  	[spmem:s20] =	stream.linear.scatter [tilespmem:s26], [sflag:$0x2], $0x3D18, $0x38;
	[tilespmem:$0x1D328] =	vst v63  }
0x1ea: {  	_ =	swait.ge [sflag:s22], $0x3D18  }
0x1eb: {  	[sflag:s22] =	ssyncset.done $0x0  }
0x1ec: {  	[sflag:s22] =	ssyncadd.s32 $0xFFFFC2E8  }
0x1ed: {  	[tilespmem:s26], [sflag:$0x1] =	stream.linear.gather [hbm4b:s24+s2], $0x3D18, $0x38;
	[tilespmem:$0x1D328] =	vst v63  }
0x1ee: {  	_ =	swait.ge [sflag:s25], $0x3D18  }
0x1ef: {  	[sflag:s25] =	ssyncset.done $0x0  }
0x1f0: {  	[sflag:s25] =	ssyncadd.s32 $0xFFFFC2E8  }
0x1f1: {  	[spmem:s18] =	stream.linear.scatter [tilespmem:s23], [sflag:$0x2], $0x3D18, $0x38;
	[tilespmem:$0x1D328] =	vst v63  }
0x1f2: {  	_ =	swait.ge [sflag:s22], $0x3D18  }
0x1f3: {  	[sflag:s22] =	ssyncset.done $0x0  }
0x1f4: {  	[sflag:s22] =	ssyncadd.s32 $0xFFFFC2E8  }
0x1f5: {  	[tilespmem:s23], [sflag:$0x1] =	stream.linear.gather [hbm4b:s21+s2], $0x3D18, $0x38;
	[tilespmem:$0x1D328] =	vst v63  }
0x1f6: {  	_ =	swait.ge [sflag:s25], $0x3D18  }
0x1f7: {  	[sflag:s25] =	ssyncset.done $0x0  }
0x1f8: {  	[sflag:s25] =	ssyncadd.s32 $0xFFFFC2E8  }
0x1f9: {  	[spmem:s17] =	stream.linear.scatter [tilespmem:s26], [sflag:$0x2], $0x3D18, $0x38;
	[tilespmem:$0x1D328] =	vst v63  }
0x1fa: {  	_ =	swait.ge [sflag:s25], $0x3D18  }
0x1fb: {  	[sflag:s25] =	ssyncset.done $0x0  }
0x1fc: {  	[sflag:s25] =	ssyncadd.s32 $0xFFFFC2E8  }
0x1fd: {  	[spmem:s19] =	stream.linear.scatter [tilespmem:s23], [sflag:$0x2], $0x3D18, $0x38;
	[tilespmem:$0x1D328] =	vst v63  }
0x1fe: {  	_ =	swait.ge [sflag:s22], $0x3D18  }
0x1ff: {  	[sflag:s22] =	ssyncset.done $0x0  }
0x200: {  	[sflag:s22] =	ssyncadd.s32 $0xFFFFC2E8  }
0x201: {  	_ =	swait.ge [sflag:s22], $0x3D18  }
0x202: {  	[sflag:s22] =	ssyncset.done $0x0  }
0x203: {  	[sflag:s22] =	ssyncadd.s32 $0xFFFFC2E8  }
0x204: {  	[bflag:$0x0] =	sbarrier.arrive $0xFFFF  }
0x205: {  	_ =	swait.ge [sflag:s14], $0x1900  }
0x206: {  	[sflag:s14] =	ssyncset.done $0x0  }
0x207: {  	[sflag:s14] =	ssyncadd.s32 $0xFFFFE700  }
0x208: {  	_ =	swait.ge [sflag:s6], $0x1900  }
0x209: {  	[sflag:s6] =	ssyncset.done $0x0  }
0x20a: {  	[sflag:s6] =	ssyncadd.s32 $0xFFFFE700  }
0x20b: {  	[tilespmem:s11], [sflag:$0x4] =	stream.indirect.gather [spmem:s3], $0x1, s2, s5, $0xb8;
	[tilespmem:$0x1D328] =	vst v63  }
0x20c: {  	_ = 	snop  }
0x20d: {  	[tilespmem:s5], [sflag:$0x3] =	stream.linear.gather [hbm4b:s16+s2], $0x1900, $0x38;
	[tilespmem:$0x1D328] =	vst v63  }
0x20e: {  	_ =	swait.ge [sflag:s14], $0x1900  }
0x20f: {  	[sflag:s14] =	ssyncset.done $0x0  }
0x210: {  	[sflag:s14] =	ssyncadd.s32 $0xFFFFE700  }
0x211: {  	_ =	swait.ge [sflag:s6], $0x1900  }
0x212: {  	[sflag:s6] =	ssyncset.done $0x0  }
0x213: {  	[sflag:s6] =	ssyncadd.s32 $0xFFFFE700  }
0x214: {  	[tilespmem:s8], [sflag:$0x4] =	stream.indirect.gather [spmem:s3], $0x1, s5, s5, $0xb8;
	[tilespmem:$0x1D328] =	vst v63  }
0x215: {  	_ =	swait.ge [sflag:s10], $0x1900  }
0x216: {  	[sflag:s10] =	ssyncset.done $0x0  }
0x217: {  	[sflag:s10] =	ssyncadd.s32 $0xFFFFE700  }
0x218: {  	[hbm4b:s13+s2] =	stream.linear.scatter [tilespmem:s11], [sflag:$0x5], $0x1900, $0x38;
	[tilespmem:$0x1D328] =	vst v63  }
0x219: {  	_ = 	snop  }
0x21a: {  	[tilespmem:s2], [sflag:$0x3] =	stream.linear.gather [hbm4b:s15+s2], $0x1900, $0x38;
	[tilespmem:$0x1D328] =	vst v63  }
0x21b: {  	_ =	swait.ge [sflag:s14], $0x1900  }
0x21c: {  	[sflag:s14] =	ssyncset.done $0x0  }
0x21d: {  	[sflag:s14] =	ssyncadd.s32 $0xFFFFE700  }
0x21e: {  	_ =	swait.ge [sflag:s6], $0x1900  }
0x21f: {  	[sflag:s6] =	ssyncset.done $0x0  }
0x220: {  	[sflag:s6] =	ssyncadd.s32 $0xFFFFE700  }
0x221: {  	[tilespmem:s11], [sflag:$0x4] =	stream.indirect.gather [spmem:s3], $0x1, s2, s5, $0xb8;
	[tilespmem:$0x1D328] =	vst v63  }
0x222: {  	_ =	swait.ge [sflag:s10], $0x1900  }
0x223: {  	[sflag:s10] =	ssyncset.done $0x0  }
0x224: {  	[sflag:s10] =	ssyncadd.s32 $0xFFFFE700  }
0x225: {  	[hbm4b:s7+s2] =	stream.linear.scatter [tilespmem:s8], [sflag:$0x5], $0x1900, $0x38;
	[tilespmem:$0x1D328] =	vst v63  }
0x226: {  	_ = 	snop  }
0x227: {  	[tilespmem:s5], [sflag:$0x3] =	stream.linear.gather [hbm4b:s9+s2], $0x1900, $0x38;
	[tilespmem:$0x1D328] =	vst v63  }
0x228: {  	_ =	swait.ge [sflag:s14], $0x1900  }
0x229: {  	[sflag:s14] =	ssyncset.done $0x0  }
0x22a: {  	[sflag:s14] =	ssyncadd.s32 $0xFFFFE700  }
0x22b: {  	_ =	swait.ge [sflag:s6], $0x1900  }
0x22c: {  	[sflag:s6] =	ssyncset.done $0x0  }
0x22d: {  	[sflag:s6] =	ssyncadd.s32 $0xFFFFE700  }
0x22e: {  	[tilespmem:s8], [sflag:$0x4] =	stream.indirect.gather [spmem:s3], $0x1, s5, s5, $0xb8;
	[tilespmem:$0x1D328] =	vst v63  }
0x22f: {  	_ =	swait.ge [sflag:s10], $0x1900  }
0x230: {  	[sflag:s10] =	ssyncset.done $0x0  }
0x231: {  	[sflag:s10] =	ssyncadd.s32 $0xFFFFE700  }
0x232: {  	[hbm4b:s4+s2] =	stream.linear.scatter [tilespmem:s11], [sflag:$0x5], $0x1900, $0x38;
	[tilespmem:$0x1D328] =	vst v63  }
0x233: {  	_ =	swait.ge [sflag:s10], $0x1900  }
0x234: {  	[sflag:s10] =	ssyncset.done $0x0  }
0x235: {  	p1 =	sne.s32 s1, $0x1;
	[sflag:s10] =	ssyncadd.s32 $0xFFFFE700  }
0x236: {  	[hbm4b:s31+s2] =	stream.linear.scatter [tilespmem:s8], [sflag:$0x5], $0x1900, $0x38;
	[tilespmem:$0x1D328] =	vst v63  }
.Ltmp2:
0x237: {  	_ =	swait.ge [sflag:s6], $0x1900;
	(pc) =	sbr.rel @p1 .LBB2_2-.Ltmp2, $4  }
0x238: {  	[sflag:s6] =	ssyncset.done $0x0  }
0x239: {  	[sflag:s6] =	ssyncadd.s32 $0xFFFFE700  }
0x23a: {  	_ =	swait.ge [sflag:s6], $0x1900  }
0x23b: {  	s1 =	sadd.s32 $0xFFFFFFFF, s1;
	s0 =	rddreg [dreg:$0x7];
	[sflag:s6] =	ssyncset.done $0x0  }
.LBB2_3:
0x23c: {  	[sflag:s6] =	ssyncadd.s32 @p0 $0xFFFFE700  }
0x23d: {  	[tilespmem:s2], [sflag:$0x3] =	stream.linear.gather [hbm4b:s0+s2], $0x1900, $0x38;
	[tilespmem:$0x1D328] =	vst v63  }
0x23e: {  	s1 =	rddreg [dreg:$0x8]  }
0x23f: {  	[tilespmem:s26], [sflag:$0x1] =	stream.linear.gather [hbm4b:s1+s2], $0x3D18, $0x38;
	[tilespmem:$0x1D328] =	vst v63  }
0x240: {  	s0 =	rddreg [dreg:$0x9]  }
0x241: {  	[tilespmem:s23], [sflag:$0x1] =	stream.linear.gather [hbm4b:s0+s2], $0x3D18, $0x38;
	[tilespmem:$0x1D328] =	vst v63  }
0x242: {  	_ =	swait.ge [sflag:s25], $0x3D18  }
0x243: {  	[sflag:s25] =	ssyncset.done $0x0  }
0x244: {  	[sflag:s25] =	ssyncadd.s32 $0xFFFFC2E8  }
0x245: {  	[spmem:s20] =	stream.linear.scatter [tilespmem:s26], [sflag:$0x2], $0x3D18, $0x38;
	[tilespmem:$0x1D328] =	vst v63  }
0x246: {  	_ =	swait.ge [sflag:s22], $0x3D18  }
0x247: {  	[sflag:s22] =	ssyncset.done $0x0  }
0x248: {  	s1 =	rddreg [dreg:$0xa];
	[sflag:s22] =	ssyncadd.s32 $0xFFFFC2E8  }
0x249: {  	[tilespmem:s26], [sflag:$0x1] =	stream.linear.gather [hbm4b:s1+s2], $0x3D18, $0x38;
	[tilespmem:$0x1D328] =	vst v63  }
0x24a: {  	_ =	swait.ge [sflag:s25], $0x3D18  }
0x24b: {  	[sflag:s25] =	ssyncset.done $0x0  }
0x24c: {  	[sflag:s25] =	ssyncadd.s32 $0xFFFFC2E8  }
0x24d: {  	[spmem:s18] =	stream.linear.scatter [tilespmem:s23], [sflag:$0x2], $0x3D18, $0x38;
	[tilespmem:$0x1D328] =	vst v63  }
0x24e: {  	_ =	swait.ge [sflag:s22], $0x3D18  }
0x24f: {  	[sflag:s22] =	ssyncset.done $0x0  }
0x250: {  	s1 =	rddreg [dreg:$0xb];
	[sflag:s22] =	ssyncadd.s32 $0xFFFFC2E8  }
0x251: {  	[tilespmem:s23], [sflag:$0x1] =	stream.linear.gather [hbm4b:s1+s2], $0x3D18, $0x38;
	[tilespmem:$0x1D328] =	vst v63  }
0x252: {  	_ =	swait.ge [sflag:s25], $0x3D18  }
0x253: {  	[sflag:s25] =	ssyncset.done $0x0  }
0x254: {  	[sflag:s25] =	ssyncadd.s32 $0xFFFFC2E8  }
0x255: {  	[spmem:s17] =	stream.linear.scatter [tilespmem:s26], [sflag:$0x2], $0x3D18, $0x38;
	[tilespmem:$0x1D328] =	vst v63  }
0x256: {  	_ =	swait.ge [sflag:s25], $0x3D18  }
0x257: {  	[sflag:s25] =	ssyncset.done $0x0  }
0x258: {  	[sflag:s25] =	ssyncadd.s32 $0xFFFFC2E8  }
0x259: {  	[spmem:s19] =	stream.linear.scatter [tilespmem:s23], [sflag:$0x2], $0x3D18, $0x38;
	[tilespmem:$0x1D328] =	vst v63  }
0x25a: {  	_ =	swait.ge [sflag:s22], $0x3D18  }
0x25b: {  	[sflag:s22] =	ssyncset.done $0x0  }
0x25c: {  	[sflag:s22] =	ssyncadd.s32 $0xFFFFC2E8  }
0x25d: {  	_ =	swait.ge [sflag:s22], $0x3D18  }
0x25e: {  	[sflag:s22] =	ssyncset.done $0x0  }
0x25f: {  	[sflag:s22] =	ssyncadd.s32 $0xFFFFC2E8  }
0x260: {  	[bflag:$0x0] =	sbarrier.arrive $0xFFFF  }
0x261: {  	_ =	swait.ge [sflag:s14], $0x1900  }
0x262: {  	[sflag:s14] =	ssyncset.done $0x0  }
0x263: {  	[sflag:s14] =	ssyncadd.s32 $0xFFFFE700  }
0x264: {  	[tilespmem:s11], [sflag:$0x4] =	stream.indirect.gather [spmem:s3], $0x1, s2, s5, $0xb8;
	[tilespmem:$0x1D328] =	vst v63  }
0x265: {  	s1 =	rddreg [dreg:$0xc]  }
0x266: {  	[tilespmem:s5], [sflag:$0x3] =	stream.linear.gather [hbm4b:s1+s2], $0x1900, $0x38;
	[tilespmem:$0x1D328] =	vst v63  }
0x267: {  	_ =	swait.ge [sflag:s14], $0x1900  }
0x268: {  	[sflag:s14] =	ssyncset.done $0x0  }
0x269: {  	[sflag:s14] =	ssyncadd.s32 $0xFFFFE700  }
0x26a: {  	[tilespmem:s8], [sflag:$0x4] =	stream.indirect.gather [spmem:s3], $0x1, s5, s5, $0xb8;
	[tilespmem:$0x1D328] =	vst v63  }
0x26b: {  	_ =	swait.ge [sflag:s10], $0x1900  }
0x26c: {  	[sflag:s10] =	ssyncset.done $0x0  }
0x26d: {  	s0 =	rddreg [dreg:$0xd];
	[sflag:s10] =	ssyncadd.s32 $0xFFFFE700  }
0x26e: {  	[hbm4b:s0+s2] =	stream.linear.scatter [tilespmem:s11], [sflag:$0x5], $0x1900, $0x38;
	[tilespmem:$0x1D328] =	vst v63  }
0x26f: {  	s1 =	rddreg [dreg:$0xe]  }
0x270: {  	[tilespmem:s2], [sflag:$0x3] =	stream.linear.gather [hbm4b:s1+s2], $0x1900, $0x38;
	[tilespmem:$0x1D328] =	vst v63  }
0x271: {  	_ =	swait.ge [sflag:s14], $0x1900  }
0x272: {  	[sflag:s14] =	ssyncset.done $0x0  }
0x273: {  	[sflag:s14] =	ssyncadd.s32 $0xFFFFE700  }
0x274: {  	_ =	swait.ge [sflag:s6], $0x1900  }
0x275: {  	[sflag:s6] =	ssyncset.done $0x0  }
0x276: {  	[sflag:s6] =	ssyncadd.s32 $0xFFFFE700  }
0x277: {  	[tilespmem:s11], [sflag:$0x4] =	stream.indirect.gather [spmem:s3], $0x1, s2, s5, $0xb8;
	[tilespmem:$0x1D328] =	vst v63  }
0x278: {  	_ =	swait.ge [sflag:s10], $0x1900  }
0x279: {  	[sflag:s10] =	ssyncset.done $0x0  }
0x27a: {  	s0 =	rddreg [dreg:$0xf];
	[sflag:s10] =	ssyncadd.s32 $0xFFFFE700  }
0x27b: {  	[hbm4b:s0+s2] =	stream.linear.scatter [tilespmem:s8], [sflag:$0x5], $0x1900, $0x38;
	[tilespmem:$0x1D328] =	vst v63  }
0x27c: {  	s1 =	rddreg [dreg:$0x10]  }
0x27d: {  	[tilespmem:s5], [sflag:$0x3] =	stream.linear.gather [hbm4b:s1+s2], $0x1900, $0x38;
	[tilespmem:$0x1D328] =	vst v63  }
0x27e: {  	_ =	swait.ge [sflag:s14], $0x1900  }
0x27f: {  	[sflag:s14] =	ssyncset.done $0x0  }
0x280: {  	[sflag:s14] =	ssyncadd.s32 $0xFFFFE700  }
0x281: {  	_ =	swait.ge [sflag:s6], $0x1900  }
0x282: {  	[sflag:s6] =	ssyncset.done $0x0  }
0x283: {  	[sflag:s6] =	ssyncadd.s32 $0xFFFFE700  }
0x284: {  	[tilespmem:s8], [sflag:$0x4] =	stream.indirect.gather [spmem:s3], $0x1, s5, s5, $0xb8;
	[tilespmem:$0x1D328] =	vst v63  }
0x285: {  	_ =	swait.ge [sflag:s10], $0x1900  }
0x286: {  	[sflag:s10] =	ssyncset.done $0x0  }
0x287: {  	s0 =	rddreg [dreg:$0x11];
	[sflag:s10] =	ssyncadd.s32 $0xFFFFE700  }
0x288: {  	[hbm4b:s0+s2] =	stream.linear.scatter [tilespmem:s11], [sflag:$0x5], $0x1900, $0x38;
	[tilespmem:$0x1D328] =	vst v63  }
0x289: {  	s1 =	rddreg [dreg:$0x12]  }
0x28a: {  	[tilespmem:s2], [sflag:$0x3] =	stream.linear.gather [hbm4b:s1+s2], $0x1900, $0x38;
	[tilespmem:$0x1D328] =	vst v63  }
0x28b: {  	_ =	swait.ge [sflag:s10], $0x1900  }
0x28c: {  	[sflag:s10] =	ssyncset.done $0x0  }
0x28d: {  	s1 =	rddreg [dreg:$0x13];
	[sflag:s10] =	ssyncadd.s32 $0xFFFFE700  }
0x28e: {  	[hbm4b:s1+s2] =	stream.linear.scatter [tilespmem:s8], [sflag:$0x5], $0x1900, $0x38;
	[tilespmem:$0x1D328] =	vst v63  }
0x28f: {  	[bflag:$0x0] =	sbarrier.arrive $0xFFFF  }
0x290: {  	s0 =	rddreg [dreg:$0x14]  }
0x291: {  	[tilespmem:s26], [sflag:$0x1] =	stream.linear.gather [hbm4b:s0+s2], $0x3D18, $0x38;
	[tilespmem:$0x1D328] =	vst v63  }
0x292: {  	s1 =	rddreg [dreg:$0x15]  }
0x293: {  	[tilespmem:s23], [sflag:$0x1] =	stream.linear.gather [hbm4b:s1+s2], $0x3D18, $0x38;
	[tilespmem:$0x1D328] =	vst v63  }
0x294: {  	_ =	swait.ge [sflag:s25], $0x3D18  }
0x295: {  	[sflag:s25] =	ssyncset.done $0x0  }
0x296: {  	[sflag:s25] =	ssyncadd.s32 $0xFFFFC2E8  }
0x297: {  	[spmem:s20] =	stream.linear.scatter [tilespmem:s26], [sflag:$0x2], $0x3D18, $0x38;
	[tilespmem:$0x1D328] =	vst v63  }
0x298: {  	_ =	swait.ge [sflag:s22], $0x3D18  }
0x299: {  	[sflag:s22] =	ssyncset.done $0x0  }
0x29a: {  	s1 =	rddreg [dreg:$0x16];
	[sflag:s22] =	ssyncadd.s32 $0xFFFFC2E8  }
0x29b: {  	[tilespmem:s26], [sflag:$0x1] =	stream.linear.gather [hbm4b:s1+s2], $0x3D18, $0x38;
	[tilespmem:$0x1D328] =	vst v63  }
0x29c: {  	_ =	swait.ge [sflag:s25], $0x3D18  }
0x29d: {  	[sflag:s25] =	ssyncset.done $0x0  }
0x29e: {  	[sflag:s25] =	ssyncadd.s32 $0xFFFFC2E8  }
0x29f: {  	[spmem:s18] =	stream.linear.scatter [tilespmem:s23], [sflag:$0x2], $0x3D18, $0x38;
	[tilespmem:$0x1D328] =	vst v63  }
0x2a0: {  	_ =	swait.ge [sflag:s22], $0x3D18  }
0x2a1: {  	[sflag:s22] =	ssyncset.done $0x0  }
0x2a2: {  	s1 =	rddreg [dreg:$0x17];
	[sflag:s22] =	ssyncadd.s32 $0xFFFFC2E8  }
0x2a3: {  	[tilespmem:s23], [sflag:$0x1] =	stream.linear.gather [hbm4b:s1+s2], $0x3D18, $0x38;
	[tilespmem:$0x1D328] =	vst v63  }
0x2a4: {  	_ =	swait.ge [sflag:s25], $0x3D18  }
0x2a5: {  	[sflag:s25] =	ssyncset.done $0x0  }
0x2a6: {  	[sflag:s25] =	ssyncadd.s32 $0xFFFFC2E8  }
0x2a7: {  	[spmem:s17] =	stream.linear.scatter [tilespmem:s26], [sflag:$0x2], $0x3D18, $0x38;
	[tilespmem:$0x1D328] =	vst v63  }
0x2a8: {  	_ =	swait.ge [sflag:s25], $0x3D18  }
0x2a9: {  	[sflag:s25] =	ssyncset.done $0x0  }
0x2aa: {  	[sflag:s25] =	ssyncadd.s32 $0xFFFFC2E8  }
0x2ab: {  	[spmem:s19] =	stream.linear.scatter [tilespmem:s23], [sflag:$0x2], $0x3D18, $0x38;
	[tilespmem:$0x1D328] =	vst v63  }
0x2ac: {  	_ =	swait.ge [sflag:s22], $0x3D18  }
0x2ad: {  	[sflag:s22] =	ssyncset.done $0x0  }
0x2ae: {  	[sflag:s22] =	ssyncadd.s32 $0xFFFFC2E8  }
0x2af: {  	_ =	swait.ge [sflag:s22], $0x3D18  }
0x2b0: {  	[sflag:s22] =	ssyncset.done $0x0  }
0x2b1: {  	[sflag:s22] =	ssyncadd.s32 $0xFFFFC2E8  }
0x2b2: {  	[bflag:$0x0] =	sbarrier.arrive $0xFFFF  }
0x2b3: {  	_ =	swait.ge [sflag:s14], $0x1900  }
0x2b4: {  	[sflag:s14] =	ssyncset.done $0x0  }
0x2b5: {  	[sflag:s14] =	ssyncadd.s32 $0xFFFFE700  }
0x2b6: {  	_ =	swait.ge [sflag:s6], $0x1900  }
0x2b7: {  	[sflag:s6] =	ssyncset.done $0x0  }
0x2b8: {  	[sflag:s6] =	ssyncadd.s32 $0xFFFFE700  }
0x2b9: {  	[tilespmem:s11], [sflag:$0x4] =	stream.indirect.gather [spmem:s3], $0x1, s2, s5, $0xb8;
	[tilespmem:$0x1D328] =	vst v63  }
0x2ba: {  	s1 =	rddreg [dreg:$0x18]  }
0x2bb: {  	[tilespmem:s5], [sflag:$0x3] =	stream.linear.gather [hbm4b:s1+s2], $0x1900, $0x38;
	[tilespmem:$0x1D328] =	vst v63  }
0x2bc: {  	_ =	swait.ge [sflag:s14], $0x1900  }
0x2bd: {  	[sflag:s14] =	ssyncset.done $0x0  }
0x2be: {  	[sflag:s14] =	ssyncadd.s32 $0xFFFFE700  }
0x2bf: {  	_ =	swait.ge [sflag:s6], $0x1900  }
0x2c0: {  	[sflag:s6] =	ssyncset.done $0x0  }
0x2c1: {  	[sflag:s6] =	ssyncadd.s32 $0xFFFFE700  }
0x2c2: {  	[tilespmem:s8], [sflag:$0x4] =	stream.indirect.gather [spmem:s3], $0x1, s5, s5, $0xb8;
	[tilespmem:$0x1D328] =	vst v63  }
0x2c3: {  	_ =	swait.ge [sflag:s10], $0x1900  }
0x2c4: {  	[sflag:s10] =	ssyncset.done $0x0  }
0x2c5: {  	s0 =	rddreg [dreg:$0x19];
	[sflag:s10] =	ssyncadd.s32 $0xFFFFE700  }
0x2c6: {  	[hbm4b:s0+s2] =	stream.linear.scatter [tilespmem:s11], [sflag:$0x5], $0x1900, $0x38;
	[tilespmem:$0x1D328] =	vst v63  }
0x2c7: {  	s1 =	rddreg [dreg:$0x1a]  }
0x2c8: {  	[tilespmem:s2], [sflag:$0x3] =	stream.linear.gather [hbm4b:s1+s2], $0x1900, $0x38;
	[tilespmem:$0x1D328] =	vst v63  }
0x2c9: {  	_ =	swait.ge [sflag:s14], $0x1900  }
0x2ca: {  	[sflag:s14] =	ssyncset.done $0x0  }
0x2cb: {  	[sflag:s14] =	ssyncadd.s32 $0xFFFFE700  }
0x2cc: {  	_ =	swait.ge [sflag:s6], $0x1900  }
0x2cd: {  	[sflag:s6] =	ssyncset.done $0x0  }
0x2ce: {  	[sflag:s6] =	ssyncadd.s32 $0xFFFFE700  }
0x2cf: {  	[tilespmem:s11], [sflag:$0x4] =	stream.indirect.gather [spmem:s3], $0x1, s2, s5, $0xb8;
	[tilespmem:$0x1D328] =	vst v63  }
0x2d0: {  	_ =	swait.ge [sflag:s10], $0x1900  }
0x2d1: {  	[sflag:s10] =	ssyncset.done $0x0  }
0x2d2: {  	s0 =	rddreg [dreg:$0x1b];
	[sflag:s10] =	ssyncadd.s32 $0xFFFFE700  }
0x2d3: {  	[hbm4b:s0+s2] =	stream.linear.scatter [tilespmem:s8], [sflag:$0x5], $0x1900, $0x38;
	[tilespmem:$0x1D328] =	vst v63  }
0x2d4: {  	s1 =	rddreg [dreg:$0x1c]  }
0x2d5: {  	[tilespmem:s5], [sflag:$0x3] =	stream.linear.gather [hbm4b:s1+s2], $0x1900, $0x38;
	[tilespmem:$0x1D328] =	vst v63  }
0x2d6: {  	_ =	swait.ge [sflag:s14], $0x1900  }
0x2d7: {  	[sflag:s14] =	ssyncset.done $0x0  }
0x2d8: {  	[sflag:s14] =	ssyncadd.s32 $0xFFFFE700  }
0x2d9: {  	_ =	swait.ge [sflag:s6], $0x1900  }
0x2da: {  	[sflag:s6] =	ssyncset.done $0x0  }
0x2db: {  	[sflag:s6] =	ssyncadd.s32 $0xFFFFE700  }
0x2dc: {  	[tilespmem:s8], [sflag:$0x4] =	stream.indirect.gather [spmem:s3], $0x1, s5, s5, $0xb8;
	[tilespmem:$0x1D328] =	vst v63  }
0x2dd: {  	_ =	swait.ge [sflag:s10], $0x1900  }
0x2de: {  	[sflag:s10] =	ssyncset.done $0x0  }
0x2df: {  	s1 =	rddreg [dreg:$0x1d];
	[sflag:s10] =	ssyncadd.s32 $0xFFFFE700  }
0x2e0: {  	[hbm4b:s1+s2] =	stream.linear.scatter [tilespmem:s11], [sflag:$0x5], $0x1900, $0x38;
	[tilespmem:$0x1D328] =	vst v63  }
0x2e1: {  	_ = 	snop  }
0x2e2: {  	[tilespmem:s2], [sflag:$0x3] =	stream.linear.gather [hbm4b:s12+s2], $0x1900, $0x38;
	[tilespmem:$0x1D328] =	vst v63  }
0x2e3: {  	_ =	swait.ge [sflag:s10], $0x1900  }
0x2e4: {  	[sflag:s10] =	ssyncset.done $0x0  }
0x2e5: {  	[sflag:s10] =	ssyncadd.s32 $0xFFFFE700  }
0x2e6: {  	[hbm4b:s30+s2] =	stream.linear.scatter [tilespmem:s8], [sflag:$0x5], $0x1900, $0x38;
	[tilespmem:$0x1D328] =	vst v63  }
0x2e7: {  	[bflag:$0x0] =	sbarrier.arrive $0xFFFF  }
0x2e8: {  	[tilespmem:s26], [sflag:$0x1] =	stream.linear.gather [hbm4b:s28+s2], $0x3D18, $0x38;
	[tilespmem:$0x1D328] =	vst v63  }
0x2e9: {  	_ = 	snop  }
0x2ea: {  	[tilespmem:s23], [sflag:$0x1] =	stream.linear.gather [hbm4b:s29+s2], $0x3D18, $0x38;
	[tilespmem:$0x1D328] =	vst v63  }
0x2eb: {  	_ =	swait.ge [sflag:s25], $0x3D18  }
0x2ec: {  	[sflag:s25] =	ssyncset.done $0x0  }
0x2ed: {  	[sflag:s25] =	ssyncadd.s32 $0xFFFFC2E8  }
0x2ee: {  	[spmem:s20] =	stream.linear.scatter [tilespmem:s26], [sflag:$0x2], $0x3D18, $0x38;
	[tilespmem:$0x1D328] =	vst v63  }
0x2ef: {  	_ =	swait.ge [sflag:s22], $0x3D18  }
0x2f0: {  	[sflag:s22] =	ssyncset.done $0x0  }
0x2f1: {  	[sflag:s22] =	ssyncadd.s32 $0xFFFFC2E8  }
0x2f2: {  	[tilespmem:s26], [sflag:$0x1] =	stream.linear.gather [hbm4b:s24+s2], $0x3D18, $0x38;
	[tilespmem:$0x1D328] =	vst v63  }
0x2f3: {  	_ =	swait.ge [sflag:s25], $0x3D18  }
0x2f4: {  	[sflag:s25] =	ssyncset.done $0x0  }
0x2f5: {  	[sflag:s25] =	ssyncadd.s32 $0xFFFFC2E8  }
0x2f6: {  	[spmem:s18] =	stream.linear.scatter [tilespmem:s23], [sflag:$0x2], $0x3D18, $0x38;
	[tilespmem:$0x1D328] =	vst v63  }
0x2f7: {  	_ =	swait.ge [sflag:s22], $0x3D18  }
0x2f8: {  	[sflag:s22] =	ssyncset.done $0x0  }
0x2f9: {  	[sflag:s22] =	ssyncadd.s32 $0xFFFFC2E8  }
0x2fa: {  	[tilespmem:s23], [sflag:$0x1] =	stream.linear.gather [hbm4b:s21+s2], $0x3D18, $0x38;
	[tilespmem:$0x1D328] =	vst v63  }
0x2fb: {  	_ =	swait.ge [sflag:s25], $0x3D18  }
0x2fc: {  	[sflag:s25] =	ssyncset.done $0x0  }
0x2fd: {  	[sflag:s25] =	ssyncadd.s32 $0xFFFFC2E8  }
0x2fe: {  	[spmem:s17] =	stream.linear.scatter [tilespmem:s26], [sflag:$0x2], $0x3D18, $0x38;
	[tilespmem:$0x1D328] =	vst v63  }
0x2ff: {  	_ =	swait.ge [sflag:s25], $0x3D18  }
0x300: {  	[sflag:s25] =	ssyncset.done $0x0  }
0x301: {  	[sflag:s25] =	ssyncadd.s32 $0xFFFFC2E8  }
0x302: {  	[spmem:s19] =	stream.linear.scatter [tilespmem:s23], [sflag:$0x2], $0x3D18, $0x38;
	[tilespmem:$0x1D328] =	vst v63  }
0x303: {  	_ =	swait.ge [sflag:s22], $0x3D18  }
0x304: {  	[sflag:s22] =	ssyncset.done $0x0  }
0x305: {  	[sflag:s22] =	ssyncadd.s32 $0xFFFFC2E8  }
0x306: {  	_ =	swait.ge [sflag:s22], $0x3D18  }
0x307: {  	[sflag:s22] =	ssyncset.done $0x0  }
0x308: {  	[sflag:s22] =	ssyncadd.s32 $0xFFFFC2E8  }
0x309: {  	[bflag:$0x0] =	sbarrier.arrive $0xFFFF  }
0x30a: {  	_ =	swait.ge [sflag:s14], $0x1900  }
0x30b: {  	[sflag:s14] =	ssyncset.done $0x0  }
0x30c: {  	[sflag:s14] =	ssyncadd.s32 $0xFFFFE700  }
0x30d: {  	_ =	swait.ge [sflag:s6], $0x1900  }
0x30e: {  	[sflag:s6] =	ssyncset.done $0x0  }
0x30f: {  	[sflag:s6] =	ssyncadd.s32 $0xFFFFE700  }
0x310: {  	[tilespmem:s11], [sflag:$0x4] =	stream.indirect.gather [spmem:s3], $0x1, s2, s5, $0xb8;
	[tilespmem:$0x1D328] =	vst v63  }
0x311: {  	_ = 	snop  }
0x312: {  	[tilespmem:s5], [sflag:$0x3] =	stream.linear.gather [hbm4b:s16+s2], $0x1900, $0x38;
	[tilespmem:$0x1D328] =	vst v63  }
0x313: {  	_ =	swait.ge [sflag:s14], $0x1900  }
0x314: {  	[sflag:s14] =	ssyncset.done $0x0  }
0x315: {  	[sflag:s14] =	ssyncadd.s32 $0xFFFFE700  }
0x316: {  	_ =	swait.ge [sflag:s6], $0x1900  }
0x317: {  	[sflag:s6] =	ssyncset.done $0x0  }
0x318: {  	[sflag:s6] =	ssyncadd.s32 $0xFFFFE700  }
0x319: {  	[tilespmem:s8], [sflag:$0x4] =	stream.indirect.gather [spmem:s3], $0x1, s5, s5, $0xb8;
	[tilespmem:$0x1D328] =	vst v63  }
0x31a: {  	_ =	swait.ge [sflag:s10], $0x1900  }
0x31b: {  	[sflag:s10] =	ssyncset.done $0x0  }
0x31c: {  	[sflag:s10] =	ssyncadd.s32 $0xFFFFE700  }
0x31d: {  	[hbm4b:s13+s2] =	stream.linear.scatter [tilespmem:s11], [sflag:$0x5], $0x1900, $0x38;
	[tilespmem:$0x1D328] =	vst v63  }
0x31e: {  	_ = 	snop  }
0x31f: {  	[tilespmem:s2], [sflag:$0x3] =	stream.linear.gather [hbm4b:s15+s2], $0x1900, $0x38;
	[tilespmem:$0x1D328] =	vst v63  }
0x320: {  	_ =	swait.ge [sflag:s14], $0x1900  }
0x321: {  	[sflag:s14] =	ssyncset.done $0x0  }
0x322: {  	[sflag:s14] =	ssyncadd.s32 $0xFFFFE700  }
0x323: {  	_ =	swait.ge [sflag:s6], $0x1900  }
0x324: {  	[sflag:s6] =	ssyncset.done $0x0  }
0x325: {  	[sflag:s6] =	ssyncadd.s32 $0xFFFFE700  }
0x326: {  	[tilespmem:s11], [sflag:$0x4] =	stream.indirect.gather [spmem:s3], $0x1, s2, s5, $0xb8;
	[tilespmem:$0x1D328] =	vst v63  }
0x327: {  	_ =	swait.ge [sflag:s10], $0x1900  }
0x328: {  	[sflag:s10] =	ssyncset.done $0x0  }
0x329: {  	[sflag:s10] =	ssyncadd.s32 $0xFFFFE700  }
0x32a: {  	[hbm4b:s7+s2] =	stream.linear.scatter [tilespmem:s8], [sflag:$0x5], $0x1900, $0x38;
	[tilespmem:$0x1D328] =	vst v63  }
0x32b: {  	_ = 	snop  }
0x32c: {  	[tilespmem:s5], [sflag:$0x3] =	stream.linear.gather [hbm4b:s9+s2], $0x1900, $0x38;
	[tilespmem:$0x1D328] =	vst v63  }
0x32d: {  	_ =	swait.ge [sflag:s14], $0x1900  }
0x32e: {  	[sflag:s14] =	ssyncset.done $0x0  }
0x32f: {  	[sflag:s14] =	ssyncadd.s32 $0xFFFFE700  }
0x330: {  	_ =	swait.ge [sflag:s6], $0x1900  }
0x331: {  	[sflag:s6] =	ssyncset.done $0x0  }
0x332: {  	[sflag:s6] =	ssyncadd.s32 $0xFFFFE700  }
0x333: {  	[tilespmem:s8], [sflag:$0x4] =	stream.indirect.gather [spmem:s3], $0x1, s5, s5, $0xb8;
	[tilespmem:$0x1D328] =	vst v63  }
0x334: {  	_ =	swait.ge [sflag:s10], $0x1900  }
0x335: {  	[sflag:s10] =	ssyncset.done $0x0  }
0x336: {  	[sflag:s10] =	ssyncadd.s32 $0xFFFFE700  }
0x337: {  	[hbm4b:s4+s2] =	stream.linear.scatter [tilespmem:s11], [sflag:$0x5], $0x1900, $0x38;
	[tilespmem:$0x1D328] =	vst v63  }
0x338: {  	_ =	swait.ge [sflag:s10], $0x1900  }
0x339: {  	[sflag:s10] =	ssyncset.done $0x0  }
0x33a: {  	[sflag:s10] =	ssyncadd.s32 $0xFFFFE700  }
0x33b: {  	[hbm4b:s31+s2] =	stream.linear.scatter [tilespmem:s8], [sflag:$0x5], $0x1900, $0x38;
	[tilespmem:$0x1D328] =	vst v63  }
0x33c: {  	_ =	swait.ge [sflag:s6], $0x1900  }
0x33d: {  	[sflag:s6] =	ssyncset.done $0x0  }
0x33e: {  	[sflag:s6] =	ssyncadd.s32 $0xFFFFE700  }
0x33f: {  	_ =	swait.ge [sflag:s6], $0x1900  }
0x340: {  	[sflag:s6] =	ssyncset.done $0x0  }
0x341: {  	[sflag:s6] =	ssyncadd.s32 $0xFFFFE700  }
0x342: {  	_ =	sfence.sel $0x180000  }
0x343: {  	[bflag:$0x0] =	sbarrier.arrive $0xFFFF  }
0x344: {  	_ =	strace $0x90000047  }
0x345: {  	s31 =	stileid.u32;
	[bflag:$0x2] =	sbarrier.arrive $0xFFFF  }
0x346: {  	p0 =	sne.s32 s31, $0x0;
	s0 =	rddreg [dreg:$0x6]  }
0x347: {  	s0 =	sadd.s32 @!p0 $0x100000, s0  }
0x348: {  	[sflag:s0] =	ssyncadd.tile.s32 @!p0 $0x1;
	_ =	shalt  }
.Lfunc_end2:
_tile_overlayer_lowered:
.L_overlay_start_2:
0x349: {  	(tag) =	ssettag $0x2  }
0x34a: {  	s0 =	rddreg [dreg:$0x0];
	s2 =	stileid.u32  }
0x34b: {  	s1 =	rddreg [dreg:$0x1];
	p0 =	sne.s32 s2, $0x0  }
0x34c: {  	s3 =	rddreg [dreg:$0x2];
	[bflag:$0x3] =	sbarrier.arrive $0xFFFF;
	s2 =	simm.s32 @!p0 $0x1C06  }
0x34d: {  	[timem:s3], [sflag:s2] =	dma.local @!p0 [hbm:s0], s1  }
0x34e: {  	s0 =	simm.s32 @!p0 $0x6  }
0x34f: {  	_ =	swait.ge @!p0 [sflag:s0], s1  }
0x350: {  	s1 =	ssub.s32 @!p0 $0x0, s1;
	[sflag:s0] =	ssyncset.done @!p0 $0x0  }
0x351: {  	[sflag:s0] =	ssyncadd.s32 @!p0 s1  }
0x352: {  	[bflag:$0x3] =	sbarrier.arrive $0xFFFF  }
0x353: {  	_ =	shalt  }

</sc_bundles>
